<compile_context>
chip_gen: v7x
topology: tpu7x:2x2x1
jax: 0.10.2.dev20260603
libtpu: 0.0.44.dev20260713+nightly
codegen_flags: <defaults>
</compile_context>

<pallas_src>
import functools

import jax
import jax.numpy as jnp
from jax import lax
from jax.experimental import pallas as pl
from jax.experimental.pallas import tpu as pltpu
from jax.experimental.pallas import tpu_sc as plsc

B = 16384
VOCAB = 100000
EMBED = 64
S = 64

NC, NS, L = 2, 16, 16
NW = NC * NS
BPW = B // NW
VPAD = 100096
NCH = 17
CW = VPAD // NCH
EPW = EMBED // NW
NBUF = 4


def _flat_body(swf_hbm, flat_out, b0, b1, b2, b3, s0, s1, s2, s3):
  bufs = [b0, b1, b2, b3]
  sems = [s0, s1, s2, s3]
  wid = lax.axis_index("s") * NC + lax.axis_index("c")
  e0 = wid * EPW
  total = EPW * NCH

  def fire(n, k):
    e = e0 + n // NCH
    c = (n % NCH) * CW
    pltpu.async_copy(swf_hbm.at[e, pl.ds(c, CW)], bufs[k], sems[k])

  def drain_and_write(n, k):
    e = e0 + n // NCH
    c = (n % NCH) * CW
    pltpu.make_async_copy(swf_hbm.at[0, pl.ds(0, CW)], bufs[k],
                          sems[k]).wait()
    pltpu.sync_copy(bufs[k], flat_out.at[pl.ds(e * VPAD + c, CW)])

  for k in range(NBUF):
    fire(k, k)

  def step(n, k):
    drain_and_write(n, k)

    @pl.when(n + NBUF < total)
    def _():
      fire(n + NBUF, k)

  def itr(n, _):
    for k in range(NBUF):
      pl.when(n % NBUF == k)(functools.partial(step, n, k))
    return 0

  lax.fori_loop(0, total, itr, 0)


@jax.jit
def _flat_stage(swf):
  mesh = plsc.VectorSubcoreMesh(core_axis_name="c", subcore_axis_name="s",
                                num_cores=NC, num_subcores=NS)
  return pl.kernel(
      _flat_body,
      out_type=jax.ShapeDtypeStruct((EMBED * VPAD,), jnp.float32),
      mesh=mesh,
      compiler_params=pltpu.CompilerParams(needs_layout_passes=False,
                                           use_tc_tiling_on_sc=True,
                                           disable_bounds_checks=True),
      scratch_types=(
          [pltpu.VMEM((CW,), jnp.float32)] * NBUF
          + [pltpu.SemaphoreType.DMA] * NBUF
      ),
  )(swf)


def _sc_body(inputs_hbm, labels_hbm, sid_hbm, table_hbm, swf_hbm, bias_hbm,
             emb_out, tl_out, sw_out, sb_out,
             idx_v, lab_v, emb_v, gidx_v, g_v, g2_v, biasg_v, tl_v,
             ssid_v, ssidx_v, ssw_v, ssb_v,
             sem_emb, sem_g, sem_b, sem_sw, sem_sb):
  wid = lax.axis_index("s") * NC + lax.axis_index("c")
  base = wid * BPW
  lane = lax.iota(jnp.int32, L)

  pltpu.sync_copy(inputs_hbm.at[pl.ds(base, BPW)], idx_v)
  pltpu.sync_copy(labels_hbm.at[pl.ds(base, BPW)], lab_v)

  emb_cp = pltpu.async_copy(table_hbm.at[idx_v], emb_v, sem_emb)

  e_off = [(lane + k * L) * VPAD for k in range(EMBED // L)]
  HBW = BPW // 2

  def build_j(hb, j, _):
    lchunk = lab_v[pl.ds(hb + j * L, L)]
    for i in range(L):
      lb = lchunk[i]
      b = j * L + i
      for k in range(EMBED // L):
        gidx_v[pl.ds(b * EMBED + k * L, L)] = e_off[k] + lb
    return 0

  lax.fori_loop(0, HBW // L, functools.partial(build_j, 0), 0)

  emb_cp.wait()
  pltpu.sync_copy(emb_v, emb_out.at[pl.ds(base, BPW)])

  g_cp = pltpu.async_copy(swf_hbm.at[gidx_v], g_v, sem_g)
  b_cp = pltpu.async_copy(bias_hbm.at[lab_v], biasg_v, sem_b)

  pltpu.sync_copy(sid_hbm, ssid_v)
  for q in range(EMBED // NW):
    for j in range(S // L):
      ssidx_v[pl.ds(q * S + j * L, L)] = (
          ssid_v[pl.ds(j * L, L)] + (wid * (EMBED // NW) + q) * VPAD)
  sw_cp = pltpu.async_copy(swf_hbm.at[ssidx_v], ssw_v, sem_sw)

  @pl.when(wid == 0)
  def _():
    pltpu.async_copy(bias_hbm.at[ssid_v], ssb_v, sem_sb).wait()
    pltpu.sync_copy(ssb_v, sb_out)

  g_cp.wait()
  b_cp.wait()

  lax.fori_loop(0, HBW // L, functools.partial(build_j, HBW), 0)
  g_cp2 = pltpu.async_copy(swf_hbm.at[gidx_v], g2_v, sem_g)

  def dot_j(hb, gv, j, _):
    out = jnp.zeros((L,), jnp.float32)
    for i in range(L):
      b = j * L + i
      acc = jnp.zeros((L,), jnp.float32)
      for k in range(EMBED // L):
        acc = acc + (emb_v[hb + b, pl.ds(k * L, L)]
                     * gv[pl.ds(b * EMBED + k * L, L)])
      out = jnp.where(lane == i, jnp.sum(acc), out)
    tl_v[pl.ds(hb + j * L, L)] = out + biasg_v[pl.ds(hb + j * L, L)]
    return 0

  lax.fori_loop(0, HBW // L, functools.partial(dot_j, 0, g_v), 0)
  g_cp2.wait()
  lax.fori_loop(0, HBW // L, functools.partial(dot_j, HBW, g2_v), 0)
  pltpu.sync_copy(tl_v, tl_out.at[pl.ds(base, BPW)])

  sw_cp.wait()
  pltpu.sync_copy(ssw_v, sw_out.at[pl.ds(wid * (EMBED // NW) * S,
                                         (EMBED // NW) * S)])


@jax.jit
def _sc_stage(inputs, labels, sampled_ids, table, swf, bias):
  mesh = plsc.VectorSubcoreMesh(core_axis_name="c", subcore_axis_name="s",
                                num_cores=NC, num_subcores=NS)
  return pl.kernel(
      _sc_body,
      out_type=(
          jax.ShapeDtypeStruct((B, 128), jnp.float32),
          jax.ShapeDtypeStruct((B,), jnp.float32),
          jax.ShapeDtypeStruct((EMBED * S,), jnp.float32),
          jax.ShapeDtypeStruct((S,), jnp.float32),
      ),
      mesh=mesh,
      compiler_params=pltpu.CompilerParams(needs_layout_passes=False,
                                           use_tc_tiling_on_sc=True,
                                           disable_bounds_checks=True),
      scratch_types=[
          pltpu.VMEM((BPW,), jnp.int32),
          pltpu.VMEM((BPW,), jnp.int32),
          pltpu.VMEM((BPW, 128), jnp.float32),
          pltpu.VMEM((EMBED * BPW // 2,), jnp.int32),
          pltpu.VMEM((EMBED * BPW // 2,), jnp.float32),
          pltpu.VMEM((EMBED * BPW // 2,), jnp.float32),
          pltpu.VMEM((BPW,), jnp.float32),
          pltpu.VMEM((BPW,), jnp.float32),
          pltpu.VMEM((S,), jnp.int32),
          pltpu.VMEM((EMBED // NW * S,), jnp.int32),
          pltpu.VMEM((EMBED // NW * S,), jnp.float32),
          pltpu.VMEM((S,), jnp.float32),
          pltpu.SemaphoreType.DMA,
          pltpu.SemaphoreType.DMA,
          pltpu.SemaphoreType.DMA,
          pltpu.SemaphoreType.DMA,
          pltpu.SemaphoreType.DMA,
      ],
  )(inputs, labels, sampled_ids, table, swf, bias)


BLK = 8192


def _tc_body(emb_ref, w_ref, sb_ref, tl_ref, loss_ref):
  x = emb_ref[...]
  w = w_ref[...]
  logits = jnp.dot(x, w, preferred_element_type=jnp.float32) + sb_ref[...]
  neg = jnp.maximum(logits, 0.0) + jnp.log(1.0 + jnp.exp(-jnp.abs(logits)))
  t = tl_ref[0]
  pos = jnp.maximum(t, 0.0) - t + jnp.log(1.0 + jnp.exp(-jnp.abs(t)))
  loss_ref[0] = pos + jnp.sum(neg, axis=1)[None, :]


@jax.jit
def _tc_stage(emb, w, sb, tl3d):
  return pl.pallas_call(
      _tc_body,
      grid=(B // BLK,),
      in_specs=[
          pl.BlockSpec((BLK, EMBED), lambda i: (i, 0)),
          pl.BlockSpec((EMBED, S), lambda i: (0, 0)),
          pl.BlockSpec((1, S), lambda i: (0, 0)),
          pl.BlockSpec((1, 1, BLK), lambda i: (i, 0, 0)),
      ],
      out_specs=pl.BlockSpec((1, 1, BLK), lambda i: (i, 0, 0)),
      out_shape=jax.ShapeDtypeStruct((B // BLK, 1, BLK), jnp.float32),
  )(emb, w, sb, tl3d)


def kernel(inputs, target, sampled_ids, embedding_weights, score_weights,
           score_bias):
  inputs = inputs.astype(jnp.int32)
  labels = target[:, 0].astype(jnp.int32)
  sampled_ids = sampled_ids.astype(jnp.int32)
  swf = _flat_stage(score_weights)
  tab = jnp.pad(embedding_weights, ((0, 0), (0, 128 - EMBED)))
  embp, tl, swg, sbg = _sc_stage(inputs, labels, sampled_ids,
                                 tab, swf, score_bias)
  emb = embp[:, :EMBED]
  w = swg.reshape(EMBED, S)
  loss3d = _tc_stage(emb, w, sbg.reshape(1, S), tl.reshape(B // BLK, 1, BLK))
  return emb, loss3d.reshape(B)

# --- scband reference (transcript-rebuilt; emitter-appended) ---
"""Pipeline reference for scband-skip-gram-46634754900069 (READ-ONLY COPY).

The authoritative reference and input builder live on the scoring server;
editing this copy changes nothing except your own understanding.
"""

import jax, jax.numpy as jnp
import numpy as np

B = 16384
VOCAB = 100000
EMBED = 64
NUM_SAMPLED = 64


def _sigmoid_ce(logits, labels):
    # numerically stable sigmoid cross entropy, matches tf.nn.sigmoid_cross_entropy_with_logits
    return jnp.maximum(logits, 0.0) - logits * labels + jnp.log1p(jnp.exp(-jnp.abs(logits)))


def setup_inputs(seed: int = 0) -> dict:
    key = jax.random.key(seed)
    k1, k2, k3, k4, k5, k6 = jax.random.split(key, 6)
    # NOTE: original build() sizes the embedding table as (input_shape[-1], embedding_size),
    # i.e. rows = batch size B, so input ids must be < B (faithful to the given code).
    inputs = jax.random.randint(k1, (B,), 0, B)
    target = jax.random.randint(k2, (B, 1), 0, VOCAB)
    embedding_weights = jax.random.normal(k3, (B, EMBED), dtype=jnp.float32) * 0.05
    score_weights = jax.random.normal(k4, (EMBED, VOCAB), dtype=jnp.float32) * 0.05
    score_bias = jax.random.normal(k5, (VOCAB,), dtype=jnp.float32) * 0.05
    # fixed negative samples (TF's nce_loss samples these; fixed here for determinism)
    sampled_ids = jax.random.randint(k6, (NUM_SAMPLED,), 0, VOCAB)
    return {
        "inputs": inputs,
        "target": target,
        "sampled_ids": sampled_ids,
        "embedding_weights": embedding_weights,
        "score_weights": score_weights,
        "score_bias": score_bias,
    }


def reference(inputs, target, sampled_ids, embedding_weights, score_weights, score_bias):
    # tf.nn.embedding_lookup
    embedding = jnp.take(embedding_weights, inputs, axis=0)  # [B, EMBED]
    labels = target[:, 0]
    # NCE loss: true logits (per-example dot with the true class column of score_weights)
    true_w = jnp.take(score_weights, labels, axis=1).T  # [B, EMBED]
    true_b = jnp.take(score_bias, labels)  # [B]
    true_logits = jnp.sum(embedding * true_w, axis=1) + true_b  # [B]
    # sampled (negative) logits shared across the batch
    sampled_w = jnp.take(score_weights, sampled_ids, axis=1)  # [EMBED, S]
    sampled_b = jnp.take(score_bias, sampled_ids)  # [S]
    sampled_logits = embedding @ sampled_w + sampled_b[None, :]  # [B, S]
    loss = _sigmoid_ce(true_logits, 1.0) + jnp.sum(_sigmoid_ce(sampled_logits, 0.0), axis=1)
    return (embedding, loss)

if __name__ == "__main__":
    import jax
    _d = setup_inputs()
    print(jax.jit(kernel)(*tuple(_d.values())))

</pallas_src>

<mosaic_0001>
#map = affine_map<(d0, d1) -> (0, 0)>
#map1 = affine_map<(d0, d1) -> (0)>
module attributes {stable_mosaic.version = 14 : i64} {
  func.func @_flat_body(%arg0: i32, %arg1: i32, %arg2: memref<64x100000xf32, #tpu.memory_space<hbm>>, %arg3: memref<6406144xf32, #tpu.memory_space<hbm>>, %arg4: memref<5888xf32, #tpu.memory_space<vmem>>, %arg5: memref<5888xf32, #tpu.memory_space<vmem>>, %arg6: memref<5888xf32, #tpu.memory_space<vmem>>, %arg7: memref<5888xf32, #tpu.memory_space<vmem>>, %arg8: memref<!tpu.dma_semaphore, #tpu.memory_space<semaphore_mem>>, %arg9: memref<!tpu.dma_semaphore, #tpu.memory_space<semaphore_mem>>, %arg10: memref<!tpu.dma_semaphore, #tpu.memory_space<semaphore_mem>>, %arg11: memref<!tpu.dma_semaphore, #tpu.memory_space<semaphore_mem>>) attributes {dimension_semantics = [#tpu.dimension_semantics<core_parallel>, #tpu.dimension_semantics<subcore_parallel>], iteration_bounds = array<i64: 2, 16>, scalar_prefetch = 0 : i64, scratch_operands = 8 : i64, tpu.core_type = #tpu.core_type<sc_vector_subcore>, window_params = [{transform_indices = #map}, {transform_indices = #map1}]} {
    %mul3A = arith.constant 2 : i32
    %mul3A_0 = arith.muli %arg1, %mul3A : i32
    %add3A = arith.addi %mul3A_0, %arg0 : i32
    %mul3A_1 = arith.constant 2 : i32
    %mul3A_2 = arith.muli %add3A, %mul3A_1 : i32
    %add3A_3 = arith.constant 0 : i32
    %add3A_4 = arith.addi %mul3A_2, %add3A_3 : i32
    %dma_start3A = arith.constant 0 : i32
    %dma_start3A_5 = tpu.memref_slice %arg2[%add3A_4, %dma_start3A] : memref<64x100000xf32, #tpu.memory_space<hbm>> -> memref<1x5888xf32, #tpu.memory_space<hbm>>
    %dma_start3A_6 = tpu.memref_squeeze %dma_start3A_5 : memref<1x5888xf32, #tpu.memory_space<hbm>> -> memref<5888xf32, #tpu.memory_space<hbm>>
    %dma_start3A_7 = arith.constant 0 : i32
    %dma_start3A_8 = tpu.memref_slice %arg2[%add3A_4, %dma_start3A_7] : memref<64x100000xf32, #tpu.memory_space<hbm>> -> memref<1x5888xf32, #tpu.memory_space<hbm>>
    %dma_start3A_9 = tpu.memref_squeeze %dma_start3A_8 : memref<1x5888xf32, #tpu.memory_space<hbm>> -> memref<5888xf32, #tpu.memory_space<hbm>>
    tpu.enqueue_dma source(%dma_start3A_9 : memref<5888xf32, #tpu.memory_space<hbm>>) target(%arg4 : memref<5888xf32, #tpu.memory_space<vmem>>) target_semaphore(%arg8 : memref<!tpu.dma_semaphore, #tpu.memory_space<semaphore_mem>>)
    %add3A_10 = arith.constant 0 : i32
    %add3A_11 = arith.addi %mul3A_2, %add3A_10 : i32
    %dma_start3A_12 = arith.constant 5888 : i32
    %dma_start3A_13 = tpu.memref_slice %arg2[%add3A_11, %dma_start3A_12] : memref<64x100000xf32, #tpu.memory_space<hbm>> -> memref<1x5888xf32, #tpu.memory_space<hbm>>
    %dma_start3A_14 = tpu.memref_squeeze %dma_start3A_13 : memref<1x5888xf32, #tpu.memory_space<hbm>> -> memref<5888xf32, #tpu.memory_space<hbm>>
    %dma_start3A_15 = arith.constant 5888 : i32
    %dma_start3A_16 = tpu.memref_slice %arg2[%add3A_11, %dma_start3A_15] : memref<64x100000xf32, #tpu.memory_space<hbm>> -> memref<1x5888xf32, #tpu.memory_space<hbm>>
    %dma_start3A_17 = tpu.memref_squeeze %dma_start3A_16 : memref<1x5888xf32, #tpu.memory_space<hbm>> -> memref<5888xf32, #tpu.memory_space<hbm>>
    tpu.enqueue_dma source(%dma_start3A_17 : memref<5888xf32, #tpu.memory_space<hbm>>) target(%arg5 : memref<5888xf32, #tpu.memory_space<vmem>>) target_semaphore(%arg9 : memref<!tpu.dma_semaphore, #tpu.memory_space<semaphore_mem>>)
    %add3A_18 = arith.constant 0 : i32
    %add3A_19 = arith.addi %mul3A_2, %add3A_18 : i32
    %dma_start3A_20 = arith.constant 11776 : i32
    %dma_start3A_21 = tpu.memref_slice %arg2[%add3A_19, %dma_start3A_20] : memref<64x100000xf32, #tpu.memory_space<hbm>> -> memref<1x5888xf32, #tpu.memory_space<hbm>>
    %dma_start3A_22 = tpu.memref_squeeze %dma_start3A_21 : memref<1x5888xf32, #tpu.memory_space<hbm>> -> memref<5888xf32, #tpu.memory_space<hbm>>
    %dma_start3A_23 = arith.constant 11776 : i32
    %dma_start3A_24 = tpu.memref_slice %arg2[%add3A_19, %dma_start3A_23] : memref<64x100000xf32, #tpu.memory_space<hbm>> -> memref<1x5888xf32, #tpu.memory_space<hbm>>
    %dma_start3A_25 = tpu.memref_squeeze %dma_start3A_24 : memref<1x5888xf32, #tpu.memory_space<hbm>> -> memref<5888xf32, #tpu.memory_space<hbm>>
    tpu.enqueue_dma source(%dma_start3A_25 : memref<5888xf32, #tpu.memory_space<hbm>>) target(%arg6 : memref<5888xf32, #tpu.memory_space<vmem>>) target_semaphore(%arg10 : memref<!tpu.dma_semaphore, #tpu.memory_space<semaphore_mem>>)
    %add3A_26 = arith.constant 0 : i32
    %add3A_27 = arith.addi %mul3A_2, %add3A_26 : i32
    %dma_start3A_28 = arith.constant 17664 : i32
    %dma_start3A_29 = tpu.memref_slice %arg2[%add3A_27, %dma_start3A_28] : memref<64x100000xf32, #tpu.memory_space<hbm>> -> memref<1x5888xf32, #tpu.memory_space<hbm>>
    %dma_start3A_30 = tpu.memref_squeeze %dma_start3A_29 : memref<1x5888xf32, #tpu.memory_space<hbm>> -> memref<5888xf32, #tpu.memory_space<hbm>>
    %dma_start3A_31 = arith.constant 17664 : i32
    %dma_start3A_32 = tpu.memref_slice %arg2[%add3A_27, %dma_start3A_31] : memref<64x100000xf32, #tpu.memory_space<hbm>> -> memref<1x5888xf32, #tpu.memory_space<hbm>>
    %dma_start3A_33 = tpu.memref_squeeze %dma_start3A_32 : memref<1x5888xf32, #tpu.memory_space<hbm>> -> memref<5888xf32, #tpu.memory_space<hbm>>
    tpu.enqueue_dma source(%dma_start3A_33 : memref<5888xf32, #tpu.memory_space<hbm>>) target(%arg7 : memref<5888xf32, #tpu.memory_space<vmem>>) target_semaphore(%arg11 : memref<!tpu.dma_semaphore, #tpu.memory_space<semaphore_mem>>)
    %scan3A = arith.constant 0 : i32
    %scan3A_34 = arith.constant 0 : i32
    %scan3A_35 = arith.constant 34 : i32
    %scan3A_36 = arith.addi %scan3A_34, %scan3A_35 : i32
    %scan3A_37 = arith.constant 1 : i32
    %scan3A_38 = scf.for %scan3A_40 = %scan3A_34 to %scan3A_36 step %scan3A_37 iter_args(%scan3A_41 = %scan3A) -> (i32)  : i32 {
      %jit3A = arith.constant 4 : i32
      %eq3A = arith.constant 0 : i32
      %eq3A_42 = arith.cmpi eq, %jit3A, %eq3A : i32
      %jit3A_43 = arith.constant 1 : i32
      %select_n3A = arith.select %eq3A_42, %jit3A_43, %jit3A : i32
      %rem3A = arith.remsi %scan3A_40, %select_n3A : i32
      %ne3A = arith.constant 0 : i32
      %ne3A_44 = arith.cmpi ne, %rem3A, %ne3A : i32
      %lt3A = arith.constant 0 : i32
      %lt3A_45 = arith.cmpi slt, %rem3A, %lt3A : i32
      %lt3A_46 = arith.constant 0 : i32
      %lt3A_47 = arith.cmpi slt, %select_n3A, %lt3A_46 : i32
      %ne3A_48 = arith.xori %lt3A_45, %lt3A_47 : i1
      %and3A = arith.andi %ne3A_48, %ne3A_44 : i1
      %add3A_49 = arith.addi %rem3A, %select_n3A : i32
      %select_n3A_50 = arith.select %and3A, %add3A_49, %rem3A : i32
      %eq3A_51 = arith.constant 0 : i32
      %eq3A_52 = arith.cmpi eq, %select_n3A_50, %eq3A_51 : i32
      %convert_element_type3A = arith.extui %eq3A_52 : i1 to i32
      %cond3A = arith.constant 0 : i32
      %cond3A_53 = arith.cmpi ne, %convert_element_type3A, %cond3A : i32
      scf.if %cond3A_53 {
        %jit3A_118 = arith.constant 17 : i32
        %div3A = arith.divsi %scan3A_40, %jit3A_118 : i32
        %sign3A = arith.constant 0 : i32
        %sign3A_119 = arith.cmpi sgt, %scan3A_40, %sign3A : i32
        %sign3A_120 = arith.extui %sign3A_119 : i1 to i32
        %sign3A_121 = arith.constant 0 : i32
        %sign3A_122 = arith.cmpi slt, %scan3A_40, %sign3A_121 : i32
        %sign3A_123 = arith.extui %sign3A_122 : i1 to i32
        %sign3A_124 = arith.subi %sign3A_120, %sign3A_123 : i32
        %sign3A_125 = arith.constant 0 : i32
        %sign3A_126 = arith.cmpi sgt, %jit3A_118, %sign3A_125 : i32
        %sign3A_127 = arith.extui %sign3A_126 : i1 to i32
        %sign3A_128 = arith.constant 0 : i32
        %sign3A_129 = arith.cmpi slt, %jit3A_118, %sign3A_128 : i32
        %sign3A_130 = arith.extui %sign3A_129 : i1 to i32
        %sign3A_131 = arith.subi %sign3A_127, %sign3A_130 : i32
        %ne3A_132 = arith.cmpi ne, %sign3A_124, %sign3A_131 : i32
        %rem3A_133 = arith.remsi %scan3A_40, %jit3A_118 : i32
        %ne3A_134 = arith.constant 0 : i32
        %ne3A_135 = arith.cmpi ne, %rem3A_133, %ne3A_134 : i32
        %and3A_136 = arith.andi %ne3A_132, %ne3A_135 : i1
        %sub3A = arith.constant 1 : i32
        %sub3A_137 = arith.subi %div3A, %sub3A : i32
        %select_n3A_138 = arith.select %and3A_136, %sub3A_137, %div3A : i32
        %add3A_139 = arith.addi %mul3A_2, %select_n3A_138 : i32
        %jit3A_140 = arith.constant 17 : i32
        %eq3A_141 = arith.constant 0 : i32
        %eq3A_142 = arith.cmpi eq, %jit3A_140, %eq3A_141 : i32
        %jit3A_143 = arith.constant 1 : i32
        %select_n3A_144 = arith.select %eq3A_142, %jit3A_143, %jit3A_140 : i32
        %rem3A_145 = arith.remsi %scan3A_40, %select_n3A_144 : i32
        %ne3A_146 = arith.constant 0 : i32
        %ne3A_147 = arith.cmpi ne, %rem3A_145, %ne3A_146 : i32
        %lt3A_148 = arith.constant 0 : i32
        %lt3A_149 = arith.cmpi slt, %rem3A_145, %lt3A_148 : i32
        %lt3A_150 = arith.constant 0 : i32
        %lt3A_151 = arith.cmpi slt, %select_n3A_144, %lt3A_150 : i32
        %ne3A_152 = arith.xori %lt3A_149, %lt3A_151 : i1
        %and3A_153 = arith.andi %ne3A_152, %ne3A_147 : i1
        %add3A_154 = arith.addi %rem3A_145, %select_n3A_144 : i32
        %select_n3A_155 = arith.select %and3A_153, %add3A_154, %rem3A_145 : i32
        %mul3A_156 = arith.constant 5888 : i32
        %mul3A_157 = arith.muli %select_n3A_155, %mul3A_156 : i32
        %dma_wait3A = arith.constant 0 : i32
        %dma_wait3A_158 = arith.constant 0 : i32
        %dma_wait3A_159 = tpu.memref_slice %arg2[%dma_wait3A, %dma_wait3A_158] : memref<64x100000xf32, #tpu.memory_space<hbm>> -> memref<1x5888xf32, #tpu.memory_space<hbm>>
        %dma_wait3A_160 = tpu.memref_squeeze %dma_wait3A_159 : memref<1x5888xf32, #tpu.memory_space<hbm>> -> memref<5888xf32, #tpu.memory_space<hbm>>
        %dma_wait3A_161 = arith.constant 0 : i32
        %dma_wait3A_162 = tpu.memref_slice %arg2[%dma_wait3A, %dma_wait3A_161] : memref<64x100000xf32, #tpu.memory_space<hbm>> -> memref<1x5888xf32, #tpu.memory_space<hbm>>
        %dma_wait3A_163 = tpu.memref_squeeze %dma_wait3A_162 : memref<1x5888xf32, #tpu.memory_space<hbm>> -> memref<5888xf32, #tpu.memory_space<hbm>>
        tpu.wait_dma2 semaphore(%arg8 : memref<!tpu.dma_semaphore, #tpu.memory_space<semaphore_mem>>) src(%dma_wait3A_163 : memref<5888xf32, #tpu.memory_space<hbm>>) dst(%arg4 : memref<5888xf32, #tpu.memory_space<vmem>>)
        %mul3A_164 = arith.constant 100096 : i32
        %mul3A_165 = arith.muli %add3A_139, %mul3A_164 : i32
        %add3A_166 = arith.addi %mul3A_165, %mul3A_157 : i32
        "tpu.region"() ({
          %run_scoped3A = tpu.sem_alloc : memref<!tpu.dma_semaphore, #tpu.memory_space<semaphore_mem>>
          %dma_start3A_174 = tpu.memref_slice %arg3[%add3A_166] : memref<6406144xf32, #tpu.memory_space<hbm>> -> memref<5888xf32, #tpu.memory_space<hbm>>
          %dma_start3A_175 = tpu.memref_slice %arg3[%add3A_166] : memref<6406144xf32, #tpu.memory_space<hbm>> -> memref<5888xf32, #tpu.memory_space<hbm>>
          tpu.enqueue_dma source(%arg4 : memref<5888xf32, #tpu.memory_space<vmem>>) target(%dma_start3A_175 : memref<5888xf32, #tpu.memory_space<hbm>>) target_semaphore(%run_scoped3A : memref<!tpu.dma_semaphore, #tpu.memory_space<semaphore_mem>>)
          %dma_wait3A_176 = tpu.memref_slice %arg3[%add3A_166] : memref<6406144xf32, #tpu.memory_space<hbm>> -> memref<5888xf32, #tpu.memory_space<hbm>>
          %dma_wait3A_177 = tpu.memref_slice %arg3[%add3A_166] : memref<6406144xf32, #tpu.memory_space<hbm>> -> memref<5888xf32, #tpu.memory_space<hbm>>
          tpu.wait_dma2 semaphore(%run_scoped3A : memref<!tpu.dma_semaphore, #tpu.memory_space<semaphore_mem>>) src(%arg4 : memref<5888xf32, #tpu.memory_space<vmem>>) dst(%dma_wait3A_177 : memref<5888xf32, #tpu.memory_space<hbm>>)
          tpu.yield
        }) : () -> ()
        %add3A_167 = arith.constant 4 : i32
        %add3A_168 = arith.addi %scan3A_40, %add3A_167 : i32
        %lt3A_169 = arith.constant 34 : i32
        %lt3A_170 = arith.cmpi slt, %add3A_168, %lt3A_169 : i32
        %convert_element_type3A_171 = arith.extui %lt3A_170 : i1 to i32
        %cond3A_172 = arith.constant 0 : i32
        %cond3A_173 = arith.cmpi ne, %convert_element_type3A_171, %cond3A_172 : i32
        scf.if %cond3A_173 {
          %add3A_174 = arith.constant 4 : i32
          %add3A_175 = arith.addi %scan3A_40, %add3A_174 : i32
          %jit3A_176 = arith.constant 17 : i32
          %div3A_177 = arith.divsi %add3A_175, %jit3A_176 : i32
          %sign3A_178 = arith.constant 0 : i32
          %sign3A_179 = arith.cmpi sgt, %add3A_175, %sign3A_178 : i32
          %sign3A_180 = arith.extui %sign3A_179 : i1 to i32
          %sign3A_181 = arith.constant 0 : i32
          %sign3A_182 = arith.cmpi slt, %add3A_175, %sign3A_181 : i32
          %sign3A_183 = arith.extui %sign3A_182 : i1 to i32
          %sign3A_184 = arith.subi %sign3A_180, %sign3A_183 : i32
          %sign3A_185 = arith.constant 0 : i32
          %sign3A_186 = arith.cmpi sgt, %jit3A_176, %sign3A_185 : i32
          %sign3A_187 = arith.extui %sign3A_186 : i1 to i32
          %sign3A_188 = arith.constant 0 : i32
          %sign3A_189 = arith.cmpi slt, %jit3A_176, %sign3A_188 : i32
          %sign3A_190 = arith.extui %sign3A_189 : i1 to i32
          %sign3A_191 = arith.subi %sign3A_187, %sign3A_190 : i32
          %ne3A_192 = arith.cmpi ne, %sign3A_184, %sign3A_191 : i32
          %rem3A_193 = arith.remsi %add3A_175, %jit3A_176 : i32
          %ne3A_194 = arith.constant 0 : i32
          %ne3A_195 = arith.cmpi ne, %rem3A_193, %ne3A_194 : i32
          %and3A_196 = arith.andi %ne3A_192, %ne3A_195 : i1
          %sub3A_197 = arith.constant 1 : i32
          %sub3A_198 = arith.subi %div3A_177, %sub3A_197 : i32
          %select_n3A_199 = arith.select %and3A_196, %sub3A_198, %div3A_177 : i32
          %add3A_200 = arith.addi %mul3A_2, %select_n3A_199 : i32
          %jit3A_201 = arith.constant 17 : i32
          %eq3A_202 = arith.constant 0 : i32
          %eq3A_203 = arith.cmpi eq, %jit3A_201, %eq3A_202 : i32
          %jit3A_204 = arith.constant 1 : i32
          %select_n3A_205 = arith.select %eq3A_203, %jit3A_204, %jit3A_201 : i32
          %rem3A_206 = arith.remsi %add3A_175, %select_n3A_205 : i32
          %ne3A_207 = arith.constant 0 : i32
          %ne3A_208 = arith.cmpi ne, %rem3A_206, %ne3A_207 : i32
          %lt3A_209 = arith.constant 0 : i32
          %lt3A_210 = arith.cmpi slt, %rem3A_206, %lt3A_209 : i32
          %lt3A_211 = arith.constant 0 : i32
          %lt3A_212 = arith.cmpi slt, %select_n3A_205, %lt3A_211 : i32
          %ne3A_213 = arith.xori %lt3A_210, %lt3A_212 : i1
          %and3A_214 = arith.andi %ne3A_213, %ne3A_208 : i1
          %add3A_215 = arith.addi %rem3A_206, %select_n3A_205 : i32
          %select_n3A_216 = arith.select %and3A_214, %add3A_215, %rem3A_206 : i32
          %mul3A_217 = arith.constant 5888 : i32
          %mul3A_218 = arith.muli %select_n3A_216, %mul3A_217 : i32
          %dma_start3A_219 = tpu.memref_slice %arg2[%add3A_200, %mul3A_218] : memref<64x100000xf32, #tpu.memory_space<hbm>> -> memref<1x5888xf32, #tpu.memory_space<hbm>>
          %dma_start3A_220 = tpu.memref_squeeze %dma_start3A_219 : memref<1x5888xf32, #tpu.memory_space<hbm>> -> memref<5888xf32, #tpu.memory_space<hbm>>
          %dma_start3A_221 = tpu.memref_slice %arg2[%add3A_200, %mul3A_218] : memref<64x100000xf32, #tpu.memory_space<hbm>> -> memref<1x5888xf32, #tpu.memory_space<hbm>>
          %dma_start3A_222 = tpu.memref_squeeze %dma_start3A_221 : memref<1x5888xf32, #tpu.memory_space<hbm>> -> memref<5888xf32, #tpu.memory_space<hbm>>
          tpu.enqueue_dma source(%dma_start3A_222 : memref<5888xf32, #tpu.memory_space<hbm>>) target(%arg4 : memref<5888xf32, #tpu.memory_space<vmem>>) target_semaphore(%arg8 : memref<!tpu.dma_semaphore, #tpu.memory_space<semaphore_mem>>)
        } else {
        }
      } else {
      }
      %jit3A_54 = arith.constant 4 : i32
      %eq3A_55 = arith.constant 0 : i32
      %eq3A_56 = arith.cmpi eq, %jit3A_54, %eq3A_55 : i32
      %jit3A_57 = arith.constant 1 : i32
      %select_n3A_58 = arith.select %eq3A_56, %jit3A_57, %jit3A_54 : i32
      %rem3A_59 = arith.remsi %scan3A_40, %select_n3A_58 : i32
      %ne3A_60 = arith.constant 0 : i32
      %ne3A_61 = arith.cmpi ne, %rem3A_59, %ne3A_60 : i32
      %lt3A_62 = arith.constant 0 : i32
      %lt3A_63 = arith.cmpi slt, %rem3A_59, %lt3A_62 : i32
      %lt3A_64 = arith.constant 0 : i32
      %lt3A_65 = arith.cmpi slt, %select_n3A_58, %lt3A_64 : i32
      %ne3A_66 = arith.xori %lt3A_63, %lt3A_65 : i1
      %and3A_67 = arith.andi %ne3A_66, %ne3A_61 : i1
      %add3A_68 = arith.addi %rem3A_59, %select_n3A_58 : i32
      %select_n3A_69 = arith.select %and3A_67, %add3A_68, %rem3A_59 : i32
      %eq3A_70 = arith.constant 1 : i32
      %eq3A_71 = arith.cmpi eq, %select_n3A_69, %eq3A_70 : i32
      %convert_element_type3A_72 = arith.extui %eq3A_71 : i1 to i32
      %cond3A_73 = arith.constant 0 : i32
      %cond3A_74 = arith.cmpi ne, %convert_element_type3A_72, %cond3A_73 : i32
      scf.if %cond3A_74 {
        %jit3A_118 = arith.constant 17 : i32
        %div3A = arith.divsi %scan3A_40, %jit3A_118 : i32
        %sign3A = arith.constant 0 : i32
        %sign3A_119 = arith.cmpi sgt, %scan3A_40, %sign3A : i32
        %sign3A_120 = arith.extui %sign3A_119 : i1 to i32
        %sign3A_121 = arith.constant 0 : i32
        %sign3A_122 = arith.cmpi slt, %scan3A_40, %sign3A_121 : i32
        %sign3A_123 = arith.extui %sign3A_122 : i1 to i32
        %sign3A_124 = arith.subi %sign3A_120, %sign3A_123 : i32
        %sign3A_125 = arith.constant 0 : i32
        %sign3A_126 = arith.cmpi sgt, %jit3A_118, %sign3A_125 : i32
        %sign3A_127 = arith.extui %sign3A_126 : i1 to i32
        %sign3A_128 = arith.constant 0 : i32
        %sign3A_129 = arith.cmpi slt, %jit3A_118, %sign3A_128 : i32
        %sign3A_130 = arith.extui %sign3A_129 : i1 to i32
        %sign3A_131 = arith.subi %sign3A_127, %sign3A_130 : i32
        %ne3A_132 = arith.cmpi ne, %sign3A_124, %sign3A_131 : i32
        %rem3A_133 = arith.remsi %scan3A_40, %jit3A_118 : i32
        %ne3A_134 = arith.constant 0 : i32
        %ne3A_135 = arith.cmpi ne, %rem3A_133, %ne3A_134 : i32
        %and3A_136 = arith.andi %ne3A_132, %ne3A_135 : i1
        %sub3A = arith.constant 1 : i32
        %sub3A_137 = arith.subi %div3A, %sub3A : i32
        %select_n3A_138 = arith.select %and3A_136, %sub3A_137, %div3A : i32
        %add3A_139 = arith.addi %mul3A_2, %select_n3A_138 : i32
        %jit3A_140 = arith.constant 17 : i32
        %eq3A_141 = arith.constant 0 : i32
        %eq3A_142 = arith.cmpi eq, %jit3A_140, %eq3A_141 : i32
        %jit3A_143 = arith.constant 1 : i32
        %select_n3A_144 = arith.select %eq3A_142, %jit3A_143, %jit3A_140 : i32
        %rem3A_145 = arith.remsi %scan3A_40, %select_n3A_144 : i32
        %ne3A_146 = arith.constant 0 : i32
        %ne3A_147 = arith.cmpi ne, %rem3A_145, %ne3A_146 : i32
        %lt3A_148 = arith.constant 0 : i32
        %lt3A_149 = arith.cmpi slt, %rem3A_145, %lt3A_148 : i32
        %lt3A_150 = arith.constant 0 : i32
        %lt3A_151 = arith.cmpi slt, %select_n3A_144, %lt3A_150 : i32
        %ne3A_152 = arith.xori %lt3A_149, %lt3A_151 : i1
        %and3A_153 = arith.andi %ne3A_152, %ne3A_147 : i1
        %add3A_154 = arith.addi %rem3A_145, %select_n3A_144 : i32
        %select_n3A_155 = arith.select %and3A_153, %add3A_154, %rem3A_145 : i32
        %mul3A_156 = arith.constant 5888 : i32
        %mul3A_157 = arith.muli %select_n3A_155, %mul3A_156 : i32
        %dma_wait3A = arith.constant 0 : i32
        %dma_wait3A_158 = arith.constant 0 : i32
        %dma_wait3A_159 = tpu.memref_slice %arg2[%dma_wait3A, %dma_wait3A_158] : memref<64x100000xf32, #tpu.memory_space<hbm>> -> memref<1x5888xf32, #tpu.memory_space<hbm>>
        %dma_wait3A_160 = tpu.memref_squeeze %dma_wait3A_159 : memref<1x5888xf32, #tpu.memory_space<hbm>> -> memref<5888xf32, #tpu.memory_space<hbm>>
        %dma_wait3A_161 = arith.constant 0 : i32
        %dma_wait3A_162 = tpu.memref_slice %arg2[%dma_wait3A, %dma_wait3A_161] : memref<64x100000xf32, #tpu.memory_space<hbm>> -> memref<1x5888xf32, #tpu.memory_space<hbm>>
        %dma_wait3A_163 = tpu.memref_squeeze %dma_wait3A_162 : memref<1x5888xf32, #tpu.memory_space<hbm>> -> memref<5888xf32, #tpu.memory_space<hbm>>
        tpu.wait_dma2 semaphore(%arg9 : memref<!tpu.dma_semaphore, #tpu.memory_space<semaphore_mem>>) src(%dma_wait3A_163 : memref<5888xf32, #tpu.memory_space<hbm>>) dst(%arg5 : memref<5888xf32, #tpu.memory_space<vmem>>)
        %mul3A_164 = arith.constant 100096 : i32
        %mul3A_165 = arith.muli %add3A_139, %mul3A_164 : i32
        %add3A_166 = arith.addi %mul3A_165, %mul3A_157 : i32
        "tpu.region"() ({
          %run_scoped3A = tpu.sem_alloc : memref<!tpu.dma_semaphore, #tpu.memory_space<semaphore_mem>>
          %dma_start3A_174 = tpu.memref_slice %arg3[%add3A_166] : memref<6406144xf32, #tpu.memory_space<hbm>> -> memref<5888xf32, #tpu.memory_space<hbm>>
          %dma_start3A_175 = tpu.memref_slice %arg3[%add3A_166] : memref<6406144xf32, #tpu.memory_space<hbm>> -> memref<5888xf32, #tpu.memory_space<hbm>>
          tpu.enqueue_dma source(%arg5 : memref<5888xf32, #tpu.memory_space<vmem>>) target(%dma_start3A_175 : memref<5888xf32, #tpu.memory_space<hbm>>) target_semaphore(%run_scoped3A : memref<!tpu.dma_semaphore, #tpu.memory_space<semaphore_mem>>)
          %dma_wait3A_176 = tpu.memref_slice %arg3[%add3A_166] : memref<6406144xf32, #tpu.memory_space<hbm>> -> memref<5888xf32, #tpu.memory_space<hbm>>
          %dma_wait3A_177 = tpu.memref_slice %arg3[%add3A_166] : memref<6406144xf32, #tpu.memory_space<hbm>> -> memref<5888xf32, #tpu.memory_space<hbm>>
          tpu.wait_dma2 semaphore(%run_scoped3A : memref<!tpu.dma_semaphore, #tpu.memory_space<semaphore_mem>>) src(%arg5 : memref<5888xf32, #tpu.memory_space<vmem>>) dst(%dma_wait3A_177 : memref<5888xf32, #tpu.memory_space<hbm>>)
          tpu.yield
        }) : () -> ()
        %add3A_167 = arith.constant 4 : i32
        %add3A_168 = arith.addi %scan3A_40, %add3A_167 : i32
        %lt3A_169 = arith.constant 34 : i32
        %lt3A_170 = arith.cmpi slt, %add3A_168, %lt3A_169 : i32
        %convert_element_type3A_171 = arith.extui %lt3A_170 : i1 to i32
        %cond3A_172 = arith.constant 0 : i32
        %cond3A_173 = arith.cmpi ne, %convert_element_type3A_171, %cond3A_172 : i32
        scf.if %cond3A_173 {
          %add3A_174 = arith.constant 4 : i32
          %add3A_175 = arith.addi %scan3A_40, %add3A_174 : i32
          %jit3A_176 = arith.constant 17 : i32
          %div3A_177 = arith.divsi %add3A_175, %jit3A_176 : i32
          %sign3A_178 = arith.constant 0 : i32
          %sign3A_179 = arith.cmpi sgt, %add3A_175, %sign3A_178 : i32
          %sign3A_180 = arith.extui %sign3A_179 : i1 to i32
          %sign3A_181 = arith.constant 0 : i32
          %sign3A_182 = arith.cmpi slt, %add3A_175, %sign3A_181 : i32
          %sign3A_183 = arith.extui %sign3A_182 : i1 to i32
          %sign3A_184 = arith.subi %sign3A_180, %sign3A_183 : i32
          %sign3A_185 = arith.constant 0 : i32
          %sign3A_186 = arith.cmpi sgt, %jit3A_176, %sign3A_185 : i32
          %sign3A_187 = arith.extui %sign3A_186 : i1 to i32
          %sign3A_188 = arith.constant 0 : i32
          %sign3A_189 = arith.cmpi slt, %jit3A_176, %sign3A_188 : i32
          %sign3A_190 = arith.extui %sign3A_189 : i1 to i32
          %sign3A_191 = arith.subi %sign3A_187, %sign3A_190 : i32
          %ne3A_192 = arith.cmpi ne, %sign3A_184, %sign3A_191 : i32
          %rem3A_193 = arith.remsi %add3A_175, %jit3A_176 : i32
          %ne3A_194 = arith.constant 0 : i32
          %ne3A_195 = arith.cmpi ne, %rem3A_193, %ne3A_194 : i32
          %and3A_196 = arith.andi %ne3A_192, %ne3A_195 : i1
          %sub3A_197 = arith.constant 1 : i32
          %sub3A_198 = arith.subi %div3A_177, %sub3A_197 : i32
          %select_n3A_199 = arith.select %and3A_196, %sub3A_198, %div3A_177 : i32
          %add3A_200 = arith.addi %mul3A_2, %select_n3A_199 : i32
          %jit3A_201 = arith.constant 17 : i32
          %eq3A_202 = arith.constant 0 : i32
          %eq3A_203 = arith.cmpi eq, %jit3A_201, %eq3A_202 : i32
          %jit3A_204 = arith.constant 1 : i32
          %select_n3A_205 = arith.select %eq3A_203, %jit3A_204, %jit3A_201 : i32
          %rem3A_206 = arith.remsi %add3A_175, %select_n3A_205 : i32
          %ne3A_207 = arith.constant 0 : i32
          %ne3A_208 = arith.cmpi ne, %rem3A_206, %ne3A_207 : i32
          %lt3A_209 = arith.constant 0 : i32
          %lt3A_210 = arith.cmpi slt, %rem3A_206, %lt3A_209 : i32
          %lt3A_211 = arith.constant 0 : i32
          %lt3A_212 = arith.cmpi slt, %select_n3A_205, %lt3A_211 : i32
          %ne3A_213 = arith.xori %lt3A_210, %lt3A_212 : i1
          %and3A_214 = arith.andi %ne3A_213, %ne3A_208 : i1
          %add3A_215 = arith.addi %rem3A_206, %select_n3A_205 : i32
          %select_n3A_216 = arith.select %and3A_214, %add3A_215, %rem3A_206 : i32
          %mul3A_217 = arith.constant 5888 : i32
          %mul3A_218 = arith.muli %select_n3A_216, %mul3A_217 : i32
          %dma_start3A_219 = tpu.memref_slice %arg2[%add3A_200, %mul3A_218] : memref<64x100000xf32, #tpu.memory_space<hbm>> -> memref<1x5888xf32, #tpu.memory_space<hbm>>
          %dma_start3A_220 = tpu.memref_squeeze %dma_start3A_219 : memref<1x5888xf32, #tpu.memory_space<hbm>> -> memref<5888xf32, #tpu.memory_space<hbm>>
          %dma_start3A_221 = tpu.memref_slice %arg2[%add3A_200, %mul3A_218] : memref<64x100000xf32, #tpu.memory_space<hbm>> -> memref<1x5888xf32, #tpu.memory_space<hbm>>
          %dma_start3A_222 = tpu.memref_squeeze %dma_start3A_221 : memref<1x5888xf32, #tpu.memory_space<hbm>> -> memref<5888xf32, #tpu.memory_space<hbm>>
          tpu.enqueue_dma source(%dma_start3A_222 : memref<5888xf32, #tpu.memory_space<hbm>>) target(%arg5 : memref<5888xf32, #tpu.memory_space<vmem>>) target_semaphore(%arg9 : memref<!tpu.dma_semaphore, #tpu.memory_space<semaphore_mem>>)
        } else {
        }
      } else {
      }
      %jit3A_75 = arith.constant 4 : i32
      %eq3A_76 = arith.constant 0 : i32
      %eq3A_77 = arith.cmpi eq, %jit3A_75, %eq3A_76 : i32
      %jit3A_78 = arith.constant 1 : i32
      %select_n3A_79 = arith.select %eq3A_77, %jit3A_78, %jit3A_75 : i32
      %rem3A_80 = arith.remsi %scan3A_40, %select_n3A_79 : i32
      %ne3A_81 = arith.constant 0 : i32
      %ne3A_82 = arith.cmpi ne, %rem3A_80, %ne3A_81 : i32
      %lt3A_83 = arith.constant 0 : i32
      %lt3A_84 = arith.cmpi slt, %rem3A_80, %lt3A_83 : i32
      %lt3A_85 = arith.constant 0 : i32
      %lt3A_86 = arith.cmpi slt, %select_n3A_79, %lt3A_85 : i32
      %ne3A_87 = arith.xori %lt3A_84, %lt3A_86 : i1
      %and3A_88 = arith.andi %ne3A_87, %ne3A_82 : i1
      %add3A_89 = arith.addi %rem3A_80, %select_n3A_79 : i32
      %select_n3A_90 = arith.select %and3A_88, %add3A_89, %rem3A_80 : i32
      %eq3A_91 = arith.constant 2 : i32
      %eq3A_92 = arith.cmpi eq, %select_n3A_90, %eq3A_91 : i32
      %convert_element_type3A_93 = arith.extui %eq3A_92 : i1 to i32
      %cond3A_94 = arith.constant 0 : i32
      %cond3A_95 = arith.cmpi ne, %convert_element_type3A_93, %cond3A_94 : i32
      scf.if %cond3A_95 {
        %jit3A_118 = arith.constant 17 : i32
        %div3A = arith.divsi %scan3A_40, %jit3A_118 : i32
        %sign3A = arith.constant 0 : i32
        %sign3A_119 = arith.cmpi sgt, %scan3A_40, %sign3A : i32
        %sign3A_120 = arith.extui %sign3A_119 : i1 to i32
        %sign3A_121 = arith.constant 0 : i32
        %sign3A_122 = arith.cmpi slt, %scan3A_40, %sign3A_121 : i32
        %sign3A_123 = arith.extui %sign3A_122 : i1 to i32
        %sign3A_124 = arith.subi %sign3A_120, %sign3A_123 : i32
        %sign3A_125 = arith.constant 0 : i32
        %sign3A_126 = arith.cmpi sgt, %jit3A_118, %sign3A_125 : i32
        %sign3A_127 = arith.extui %sign3A_126 : i1 to i32
        %sign3A_128 = arith.constant 0 : i32
        %sign3A_129 = arith.cmpi slt, %jit3A_118, %sign3A_128 : i32
        %sign3A_130 = arith.extui %sign3A_129 : i1 to i32
        %sign3A_131 = arith.subi %sign3A_127, %sign3A_130 : i32
        %ne3A_132 = arith.cmpi ne, %sign3A_124, %sign3A_131 : i32
        %rem3A_133 = arith.remsi %scan3A_40, %jit3A_118 : i32
        %ne3A_134 = arith.constant 0 : i32
        %ne3A_135 = arith.cmpi ne, %rem3A_133, %ne3A_134 : i32
        %and3A_136 = arith.andi %ne3A_132, %ne3A_135 : i1
        %sub3A = arith.constant 1 : i32
        %sub3A_137 = arith.subi %div3A, %sub3A : i32
        %select_n3A_138 = arith.select %and3A_136, %sub3A_137, %div3A : i32
        %add3A_139 = arith.addi %mul3A_2, %select_n3A_138 : i32
        %jit3A_140 = arith.constant 17 : i32
        %eq3A_141 = arith.constant 0 : i32
        %eq3A_142 = arith.cmpi eq, %jit3A_140, %eq3A_141 : i32
        %jit3A_143 = arith.constant 1 : i32
        %select_n3A_144 = arith.select %eq3A_142, %jit3A_143, %jit3A_140 : i32
        %rem3A_145 = arith.remsi %scan3A_40, %select_n3A_144 : i32
        %ne3A_146 = arith.constant 0 : i32
        %ne3A_147 = arith.cmpi ne, %rem3A_145, %ne3A_146 : i32
        %lt3A_148 = arith.constant 0 : i32
        %lt3A_149 = arith.cmpi slt, %rem3A_145, %lt3A_148 : i32
        %lt3A_150 = arith.constant 0 : i32
        %lt3A_151 = arith.cmpi slt, %select_n3A_144, %lt3A_150 : i32
        %ne3A_152 = arith.xori %lt3A_149, %lt3A_151 : i1
        %and3A_153 = arith.andi %ne3A_152, %ne3A_147 : i1
        %add3A_154 = arith.addi %rem3A_145, %select_n3A_144 : i32
        %select_n3A_155 = arith.select %and3A_153, %add3A_154, %rem3A_145 : i32
        %mul3A_156 = arith.constant 5888 : i32
        %mul3A_157 = arith.muli %select_n3A_155, %mul3A_156 : i32
        %dma_wait3A = arith.constant 0 : i32
        %dma_wait3A_158 = arith.constant 0 : i32
        %dma_wait3A_159 = tpu.memref_slice %arg2[%dma_wait3A, %dma_wait3A_158] : memref<64x100000xf32, #tpu.memory_space<hbm>> -> memref<1x5888xf32, #tpu.memory_space<hbm>>
        %dma_wait3A_160 = tpu.memref_squeeze %dma_wait3A_159 : memref<1x5888xf32, #tpu.memory_space<hbm>> -> memref<5888xf32, #tpu.memory_space<hbm>>
        %dma_wait3A_161 = arith.constant 0 : i32
        %dma_wait3A_162 = tpu.memref_slice %arg2[%dma_wait3A, %dma_wait3A_161] : memref<64x100000xf32, #tpu.memory_space<hbm>> -> memref<1x5888xf32, #tpu.memory_space<hbm>>
        %dma_wait3A_163 = tpu.memref_squeeze %dma_wait3A_162 : memref<1x5888xf32, #tpu.memory_space<hbm>> -> memref<5888xf32, #tpu.memory_space<hbm>>
        tpu.wait_dma2 semaphore(%arg10 : memref<!tpu.dma_semaphore, #tpu.memory_space<semaphore_mem>>) src(%dma_wait3A_163 : memref<5888xf32, #tpu.memory_space<hbm>>) dst(%arg6 : memref<5888xf32, #tpu.memory_space<vmem>>)
        %mul3A_164 = arith.constant 100096 : i32
        %mul3A_165 = arith.muli %add3A_139, %mul3A_164 : i32
        %add3A_166 = arith.addi %mul3A_165, %mul3A_157 : i32
        "tpu.region"() ({
          %run_scoped3A = tpu.sem_alloc : memref<!tpu.dma_semaphore, #tpu.memory_space<semaphore_mem>>
          %dma_start3A_174 = tpu.memref_slice %arg3[%add3A_166] : memref<6406144xf32, #tpu.memory_space<hbm>> -> memref<5888xf32, #tpu.memory_space<hbm>>
          %dma_start3A_175 = tpu.memref_slice %arg3[%add3A_166] : memref<6406144xf32, #tpu.memory_space<hbm>> -> memref<5888xf32, #tpu.memory_space<hbm>>
          tpu.enqueue_dma source(%arg6 : memref<5888xf32, #tpu.memory_space<vmem>>) target(%dma_start3A_175 : memref<5888xf32, #tpu.memory_space<hbm>>) target_semaphore(%run_scoped3A : memref<!tpu.dma_semaphore, #tpu.memory_space<semaphore_mem>>)
          %dma_wait3A_176 = tpu.memref_slice %arg3[%add3A_166] : memref<6406144xf32, #tpu.memory_space<hbm>> -> memref<5888xf32, #tpu.memory_space<hbm>>
          %dma_wait3A_177 = tpu.memref_slice %arg3[%add3A_166] : memref<6406144xf32, #tpu.memory_space<hbm>> -> memref<5888xf32, #tpu.memory_space<hbm>>
          tpu.wait_dma2 semaphore(%run_scoped3A : memref<!tpu.dma_semaphore, #tpu.memory_space<semaphore_mem>>) src(%arg6 : memref<5888xf32, #tpu.memory_space<vmem>>) dst(%dma_wait3A_177 : memref<5888xf32, #tpu.memory_space<hbm>>)
          tpu.yield
        }) : () -> ()
        %add3A_167 = arith.constant 4 : i32
        %add3A_168 = arith.addi %scan3A_40, %add3A_167 : i32
        %lt3A_169 = arith.constant 34 : i32
        %lt3A_170 = arith.cmpi slt, %add3A_168, %lt3A_169 : i32
        %convert_element_type3A_171 = arith.extui %lt3A_170 : i1 to i32
        %cond3A_172 = arith.constant 0 : i32
        %cond3A_173 = arith.cmpi ne, %convert_element_type3A_171, %cond3A_172 : i32
        scf.if %cond3A_173 {
          %add3A_174 = arith.constant 4 : i32
          %add3A_175 = arith.addi %scan3A_40, %add3A_174 : i32
          %jit3A_176 = arith.constant 17 : i32
          %div3A_177 = arith.divsi %add3A_175, %jit3A_176 : i32
          %sign3A_178 = arith.constant 0 : i32
          %sign3A_179 = arith.cmpi sgt, %add3A_175, %sign3A_178 : i32
          %sign3A_180 = arith.extui %sign3A_179 : i1 to i32
          %sign3A_181 = arith.constant 0 : i32
          %sign3A_182 = arith.cmpi slt, %add3A_175, %sign3A_181 : i32
          %sign3A_183 = arith.extui %sign3A_182 : i1 to i32
          %sign3A_184 = arith.subi %sign3A_180, %sign3A_183 : i32
          %sign3A_185 = arith.constant 0 : i32
          %sign3A_186 = arith.cmpi sgt, %jit3A_176, %sign3A_185 : i32
          %sign3A_187 = arith.extui %sign3A_186 : i1 to i32
          %sign3A_188 = arith.constant 0 : i32
          %sign3A_189 = arith.cmpi slt, %jit3A_176, %sign3A_188 : i32
          %sign3A_190 = arith.extui %sign3A_189 : i1 to i32
          %sign3A_191 = arith.subi %sign3A_187, %sign3A_190 : i32
          %ne3A_192 = arith.cmpi ne, %sign3A_184, %sign3A_191 : i32
          %rem3A_193 = arith.remsi %add3A_175, %jit3A_176 : i32
          %ne3A_194 = arith.constant 0 : i32
          %ne3A_195 = arith.cmpi ne, %rem3A_193, %ne3A_194 : i32
          %and3A_196 = arith.andi %ne3A_192, %ne3A_195 : i1
          %sub3A_197 = arith.constant 1 : i32
          %sub3A_198 = arith.subi %div3A_177, %sub3A_197 : i32
          %select_n3A_199 = arith.select %and3A_196, %sub3A_198, %div3A_177 : i32
          %add3A_200 = arith.addi %mul3A_2, %select_n3A_199 : i32
          %jit3A_201 = arith.constant 17 : i32
          %eq3A_202 = arith.constant 0 : i32
          %eq3A_203 = arith.cmpi eq, %jit3A_201, %eq3A_202 : i32
          %jit3A_204 = arith.constant 1 : i32
          %select_n3A_205 = arith.select %eq3A_203, %jit3A_204, %jit3A_201 : i32
          %rem3A_206 = arith.remsi %add3A_175, %select_n3A_205 : i32
          %ne3A_207 = arith.constant 0 : i32
          %ne3A_208 = arith.cmpi ne, %rem3A_206, %ne3A_207 : i32
          %lt3A_209 = arith.constant 0 : i32
          %lt3A_210 = arith.cmpi slt, %rem3A_206, %lt3A_209 : i32
          %lt3A_211 = arith.constant 0 : i32
          %lt3A_212 = arith.cmpi slt, %select_n3A_205, %lt3A_211 : i32
          %ne3A_213 = arith.xori %lt3A_210, %lt3A_212 : i1
          %and3A_214 = arith.andi %ne3A_213, %ne3A_208 : i1
          %add3A_215 = arith.addi %rem3A_206, %select_n3A_205 : i32
          %select_n3A_216 = arith.select %and3A_214, %add3A_215, %rem3A_206 : i32
          %mul3A_217 = arith.constant 5888 : i32
          %mul3A_218 = arith.muli %select_n3A_216, %mul3A_217 : i32
          %dma_start3A_219 = tpu.memref_slice %arg2[%add3A_200, %mul3A_218] : memref<64x100000xf32, #tpu.memory_space<hbm>> -> memref<1x5888xf32, #tpu.memory_space<hbm>>
          %dma_start3A_220 = tpu.memref_squeeze %dma_start3A_219 : memref<1x5888xf32, #tpu.memory_space<hbm>> -> memref<5888xf32, #tpu.memory_space<hbm>>
          %dma_start3A_221 = tpu.memref_slice %arg2[%add3A_200, %mul3A_218] : memref<64x100000xf32, #tpu.memory_space<hbm>> -> memref<1x5888xf32, #tpu.memory_space<hbm>>
          %dma_start3A_222 = tpu.memref_squeeze %dma_start3A_221 : memref<1x5888xf32, #tpu.memory_space<hbm>> -> memref<5888xf32, #tpu.memory_space<hbm>>
          tpu.enqueue_dma source(%dma_start3A_222 : memref<5888xf32, #tpu.memory_space<hbm>>) target(%arg6 : memref<5888xf32, #tpu.memory_space<vmem>>) target_semaphore(%arg10 : memref<!tpu.dma_semaphore, #tpu.memory_space<semaphore_mem>>)
        } else {
        }
      } else {
      }
      %jit3A_96 = arith.constant 4 : i32
      %eq3A_97 = arith.constant 0 : i32
      %eq3A_98 = arith.cmpi eq, %jit3A_96, %eq3A_97 : i32
      %jit3A_99 = arith.constant 1 : i32
      %select_n3A_100 = arith.select %eq3A_98, %jit3A_99, %jit3A_96 : i32
      %rem3A_101 = arith.remsi %scan3A_40, %select_n3A_100 : i32
      %ne3A_102 = arith.constant 0 : i32
      %ne3A_103 = arith.cmpi ne, %rem3A_101, %ne3A_102 : i32
      %lt3A_104 = arith.constant 0 : i32
      %lt3A_105 = arith.cmpi slt, %rem3A_101, %lt3A_104 : i32
      %lt3A_106 = arith.constant 0 : i32
      %lt3A_107 = arith.cmpi slt, %select_n3A_100, %lt3A_106 : i32
      %ne3A_108 = arith.xori %lt3A_105, %lt3A_107 : i1
      %and3A_109 = arith.andi %ne3A_108, %ne3A_103 : i1
      %add3A_110 = arith.addi %rem3A_101, %select_n3A_100 : i32
      %select_n3A_111 = arith.select %and3A_109, %add3A_110, %rem3A_101 : i32
      %eq3A_112 = arith.constant 3 : i32
      %eq3A_113 = arith.cmpi eq, %select_n3A_111, %eq3A_112 : i32
      %convert_element_type3A_114 = arith.extui %eq3A_113 : i1 to i32
      %cond3A_115 = arith.constant 0 : i32
      %cond3A_116 = arith.cmpi ne, %convert_element_type3A_114, %cond3A_115 : i32
      scf.if %cond3A_116 {
        %jit3A_118 = arith.constant 17 : i32
        %div3A = arith.divsi %scan3A_40, %jit3A_118 : i32
        %sign3A = arith.constant 0 : i32
        %sign3A_119 = arith.cmpi sgt, %scan3A_40, %sign3A : i32
        %sign3A_120 = arith.extui %sign3A_119 : i1 to i32
        %sign3A_121 = arith.constant 0 : i32
        %sign3A_122 = arith.cmpi slt, %scan3A_40, %sign3A_121 : i32
        %sign3A_123 = arith.extui %sign3A_122 : i1 to i32
        %sign3A_124 = arith.subi %sign3A_120, %sign3A_123 : i32
        %sign3A_125 = arith.constant 0 : i32
        %sign3A_126 = arith.cmpi sgt, %jit3A_118, %sign3A_125 : i32
        %sign3A_127 = arith.extui %sign3A_126 : i1 to i32
        %sign3A_128 = arith.constant 0 : i32
        %sign3A_129 = arith.cmpi slt, %jit3A_118, %sign3A_128 : i32
        %sign3A_130 = arith.extui %sign3A_129 : i1 to i32
        %sign3A_131 = arith.subi %sign3A_127, %sign3A_130 : i32
        %ne3A_132 = arith.cmpi ne, %sign3A_124, %sign3A_131 : i32
        %rem3A_133 = arith.remsi %scan3A_40, %jit3A_118 : i32
        %ne3A_134 = arith.constant 0 : i32
        %ne3A_135 = arith.cmpi ne, %rem3A_133, %ne3A_134 : i32
        %and3A_136 = arith.andi %ne3A_132, %ne3A_135 : i1
        %sub3A = arith.constant 1 : i32
        %sub3A_137 = arith.subi %div3A, %sub3A : i32
        %select_n3A_138 = arith.select %and3A_136, %sub3A_137, %div3A : i32
        %add3A_139 = arith.addi %mul3A_2, %select_n3A_138 : i32
        %jit3A_140 = arith.constant 17 : i32
        %eq3A_141 = arith.constant 0 : i32
        %eq3A_142 = arith.cmpi eq, %jit3A_140, %eq3A_141 : i32
        %jit3A_143 = arith.constant 1 : i32
        %select_n3A_144 = arith.select %eq3A_142, %jit3A_143, %jit3A_140 : i32
        %rem3A_145 = arith.remsi %scan3A_40, %select_n3A_144 : i32
        %ne3A_146 = arith.constant 0 : i32
        %ne3A_147 = arith.cmpi ne, %rem3A_145, %ne3A_146 : i32
        %lt3A_148 = arith.constant 0 : i32
        %lt3A_149 = arith.cmpi slt, %rem3A_145, %lt3A_148 : i32
        %lt3A_150 = arith.constant 0 : i32
        %lt3A_151 = arith.cmpi slt, %select_n3A_144, %lt3A_150 : i32
        %ne3A_152 = arith.xori %lt3A_149, %lt3A_151 : i1
        %and3A_153 = arith.andi %ne3A_152, %ne3A_147 : i1
        %add3A_154 = arith.addi %rem3A_145, %select_n3A_144 : i32
        %select_n3A_155 = arith.select %and3A_153, %add3A_154, %rem3A_145 : i32
        %mul3A_156 = arith.constant 5888 : i32
        %mul3A_157 = arith.muli %select_n3A_155, %mul3A_156 : i32
        %dma_wait3A = arith.constant 0 : i32
        %dma_wait3A_158 = arith.constant 0 : i32
        %dma_wait3A_159 = tpu.memref_slice %arg2[%dma_wait3A, %dma_wait3A_158] : memref<64x100000xf32, #tpu.memory_space<hbm>> -> memref<1x5888xf32, #tpu.memory_space<hbm>>
        %dma_wait3A_160 = tpu.memref_squeeze %dma_wait3A_159 : memref<1x5888xf32, #tpu.memory_space<hbm>> -> memref<5888xf32, #tpu.memory_space<hbm>>
        %dma_wait3A_161 = arith.constant 0 : i32
        %dma_wait3A_162 = tpu.memref_slice %arg2[%dma_wait3A, %dma_wait3A_161] : memref<64x100000xf32, #tpu.memory_space<hbm>> -> memref<1x5888xf32, #tpu.memory_space<hbm>>
        %dma_wait3A_163 = tpu.memref_squeeze %dma_wait3A_162 : memref<1x5888xf32, #tpu.memory_space<hbm>> -> memref<5888xf32, #tpu.memory_space<hbm>>
        tpu.wait_dma2 semaphore(%arg11 : memref<!tpu.dma_semaphore, #tpu.memory_space<semaphore_mem>>) src(%dma_wait3A_163 : memref<5888xf32, #tpu.memory_space<hbm>>) dst(%arg7 : memref<5888xf32, #tpu.memory_space<vmem>>)
        %mul3A_164 = arith.constant 100096 : i32
        %mul3A_165 = arith.muli %add3A_139, %mul3A_164 : i32
        %add3A_166 = arith.addi %mul3A_165, %mul3A_157 : i32
        "tpu.region"() ({
          %run_scoped3A = tpu.sem_alloc : memref<!tpu.dma_semaphore, #tpu.memory_space<semaphore_mem>>
          %dma_start3A_174 = tpu.memref_slice %arg3[%add3A_166] : memref<6406144xf32, #tpu.memory_space<hbm>> -> memref<5888xf32, #tpu.memory_space<hbm>>
          %dma_start3A_175 = tpu.memref_slice %arg3[%add3A_166] : memref<6406144xf32, #tpu.memory_space<hbm>> -> memref<5888xf32, #tpu.memory_space<hbm>>
          tpu.enqueue_dma source(%arg7 : memref<5888xf32, #tpu.memory_space<vmem>>) target(%dma_start3A_175 : memref<5888xf32, #tpu.memory_space<hbm>>) target_semaphore(%run_scoped3A : memref<!tpu.dma_semaphore, #tpu.memory_space<semaphore_mem>>)
          %dma_wait3A_176 = tpu.memref_slice %arg3[%add3A_166] : memref<6406144xf32, #tpu.memory_space<hbm>> -> memref<5888xf32, #tpu.memory_space<hbm>>
          %dma_wait3A_177 = tpu.memref_slice %arg3[%add3A_166] : memref<6406144xf32, #tpu.memory_space<hbm>> -> memref<5888xf32, #tpu.memory_space<hbm>>
          tpu.wait_dma2 semaphore(%run_scoped3A : memref<!tpu.dma_semaphore, #tpu.memory_space<semaphore_mem>>) src(%arg7 : memref<5888xf32, #tpu.memory_space<vmem>>) dst(%dma_wait3A_177 : memref<5888xf32, #tpu.memory_space<hbm>>)
          tpu.yield
        }) : () -> ()
        %add3A_167 = arith.constant 4 : i32
        %add3A_168 = arith.addi %scan3A_40, %add3A_167 : i32
        %lt3A_169 = arith.constant 34 : i32
        %lt3A_170 = arith.cmpi slt, %add3A_168, %lt3A_169 : i32
        %convert_element_type3A_171 = arith.extui %lt3A_170 : i1 to i32
        %cond3A_172 = arith.constant 0 : i32
        %cond3A_173 = arith.cmpi ne, %convert_element_type3A_171, %cond3A_172 : i32
        scf.if %cond3A_173 {
          %add3A_174 = arith.constant 4 : i32
          %add3A_175 = arith.addi %scan3A_40, %add3A_174 : i32
          %jit3A_176 = arith.constant 17 : i32
          %div3A_177 = arith.divsi %add3A_175, %jit3A_176 : i32
          %sign3A_178 = arith.constant 0 : i32
          %sign3A_179 = arith.cmpi sgt, %add3A_175, %sign3A_178 : i32
          %sign3A_180 = arith.extui %sign3A_179 : i1 to i32
          %sign3A_181 = arith.constant 0 : i32
          %sign3A_182 = arith.cmpi slt, %add3A_175, %sign3A_181 : i32
          %sign3A_183 = arith.extui %sign3A_182 : i1 to i32
          %sign3A_184 = arith.subi %sign3A_180, %sign3A_183 : i32
          %sign3A_185 = arith.constant 0 : i32
          %sign3A_186 = arith.cmpi sgt, %jit3A_176, %sign3A_185 : i32
          %sign3A_187 = arith.extui %sign3A_186 : i1 to i32
          %sign3A_188 = arith.constant 0 : i32
          %sign3A_189 = arith.cmpi slt, %jit3A_176, %sign3A_188 : i32
          %sign3A_190 = arith.extui %sign3A_189 : i1 to i32
          %sign3A_191 = arith.subi %sign3A_187, %sign3A_190 : i32
          %ne3A_192 = arith.cmpi ne, %sign3A_184, %sign3A_191 : i32
          %rem3A_193 = arith.remsi %add3A_175, %jit3A_176 : i32
          %ne3A_194 = arith.constant 0 : i32
          %ne3A_195 = arith.cmpi ne, %rem3A_193, %ne3A_194 : i32
          %and3A_196 = arith.andi %ne3A_192, %ne3A_195 : i1
          %sub3A_197 = arith.constant 1 : i32
          %sub3A_198 = arith.subi %div3A_177, %sub3A_197 : i32
          %select_n3A_199 = arith.select %and3A_196, %sub3A_198, %div3A_177 : i32
          %add3A_200 = arith.addi %mul3A_2, %select_n3A_199 : i32
          %jit3A_201 = arith.constant 17 : i32
          %eq3A_202 = arith.constant 0 : i32
          %eq3A_203 = arith.cmpi eq, %jit3A_201, %eq3A_202 : i32
          %jit3A_204 = arith.constant 1 : i32
          %select_n3A_205 = arith.select %eq3A_203, %jit3A_204, %jit3A_201 : i32
          %rem3A_206 = arith.remsi %add3A_175, %select_n3A_205 : i32
          %ne3A_207 = arith.constant 0 : i32
          %ne3A_208 = arith.cmpi ne, %rem3A_206, %ne3A_207 : i32
          %lt3A_209 = arith.constant 0 : i32
          %lt3A_210 = arith.cmpi slt, %rem3A_206, %lt3A_209 : i32
          %lt3A_211 = arith.constant 0 : i32
          %lt3A_212 = arith.cmpi slt, %select_n3A_205, %lt3A_211 : i32
          %ne3A_213 = arith.xori %lt3A_210, %lt3A_212 : i1
          %and3A_214 = arith.andi %ne3A_213, %ne3A_208 : i1
          %add3A_215 = arith.addi %rem3A_206, %select_n3A_205 : i32
          %select_n3A_216 = arith.select %and3A_214, %add3A_215, %rem3A_206 : i32
          %mul3A_217 = arith.constant 5888 : i32
          %mul3A_218 = arith.muli %select_n3A_216, %mul3A_217 : i32
          %dma_start3A_219 = tpu.memref_slice %arg2[%add3A_200, %mul3A_218] : memref<64x100000xf32, #tpu.memory_space<hbm>> -> memref<1x5888xf32, #tpu.memory_space<hbm>>
          %dma_start3A_220 = tpu.memref_squeeze %dma_start3A_219 : memref<1x5888xf32, #tpu.memory_space<hbm>> -> memref<5888xf32, #tpu.memory_space<hbm>>
          %dma_start3A_221 = tpu.memref_slice %arg2[%add3A_200, %mul3A_218] : memref<64x100000xf32, #tpu.memory_space<hbm>> -> memref<1x5888xf32, #tpu.memory_space<hbm>>
          %dma_start3A_222 = tpu.memref_squeeze %dma_start3A_221 : memref<1x5888xf32, #tpu.memory_space<hbm>> -> memref<5888xf32, #tpu.memory_space<hbm>>
          tpu.enqueue_dma source(%dma_start3A_222 : memref<5888xf32, #tpu.memory_space<hbm>>) target(%arg7 : memref<5888xf32, #tpu.memory_space<vmem>>) target_semaphore(%arg11 : memref<!tpu.dma_semaphore, #tpu.memory_space<semaphore_mem>>)
        } else {
        }
      } else {
      }
      %scan3A_117 = arith.constant 0 : i32
      scf.yield %scan3A_117 : i32
    }
    %scan3A_39 = arith.constant 34 : i32
    return
  }
}

</mosaic_0001>

<sc_bundles>
// kernel: _flat_stage.3.cloned.1.call-start
scs
__scs_entry_jumppad:
0x0: {  	(pc) =	sbr.rel $0x88, $3  }
0x1: {  	(tag) =	ssettag $0x0;
	lr =	simm.s32 $0x1  }
0x2: {  	[smem:$0x3FA0] =	sst lr;
	_ =	strace $0xD0000000  }
0x3: {  	_ = 	snop  }
0x4: {  	_ = 	snop  }
0x5: {  	_ = 	snop  }
0x6: {  	_ = 	snop  }
0x7: {  	_ = 	snop  }
__scs_overlays_trampoline_lowered:
0x8: {  	[smem:$0x3FAF] =	sst s0  }
0x9: {  	[smem:$0x3FB0] =	sst s1  }
0xa: {  	[smem:$0x3FB1] =	sst s2  }
0xb: {  	[smem:$0x3FB2] =	sst s3  }
0xc: {  	[smem:$0x3FB3] =	sst s4  }
0xd: {  	[smem:$0x3FB4] =	sst s5  }
0xe: {  	[smem:$0x3FB5] =	sst s6  }
0xf: {  	[smem:$0x3FB6] =	sst s7  }
0x10: {  	[smem:$0x3FB7] =	sst s8  }
0x11: {  	[smem:$0x3FB8] =	sst s9;
	s0 =	simm.s32 @!p0 $0x0  }
0x12: {  	s1 =	sld [smem:$0x3F9E];
	s0 =	simm.s32 @p0 $0x1  }
0x13: {  	[smem:$0x3FB9] =	sst s0;
	s0 =	simm.s32 @!p1 $0x0  }
0x14: {  	s2 =	sld [smem:$0x3F9D];
	s0 =	simm.s32 @p1 $0x1  }
0x15: {  	[smem:$0x3FBA] =	sst s0;
	s0 =	simm.s32 @!p2 $0x0  }
0x16: {  	s3 =	sld [smem:$0x3FDB];
	s0 =	simm.s32 @p2 $0x1  }
0x17: {  	s4 =	simm.s32 $0x1BF5;
	[smem:$0x3FBC] =	sst s0  }
0x18: {  	s0 =	sld [smem:$0x3F9F];
	_ =	swait.ge [sflag:s4], $0x0  }
0x19: {  	s7 =	sld [smem:$0x3FA0]  }
0x1a: {  	s8 =	sadd.s32 $0xFFFFE003, lr  }
0x1b: {  	s9 =	sadd.s32 $0xFFFFFEF7, lr;
	s5 =	simm.s32 $0xFFFFFFFF;
	p2 =	slt.u32 s8, $0xFFFFF086  }
0x1c: {  	p1 =	slt.u32 s9, $0xF7A;
	s5 =	simm.s32 @!p2 $0x0  }
0x1d: {  	s5 =	simm.s32 @p1 $0x1;
	p0 =	seq.s32 s7, s2  }
0x1e: {  	s7 =	smul.u32 @!p0 $0xF7A, s2;
	p2 =	seq.s32 @!p0 s5, $0x0  }
0x1f: {  	s9 =	smul.u32 $0xF7A, s1;
	s8 =	simm.s32 @!p0 $0x1BF5;
	p2 =	por !p2, p0  }
0x20: {  	[sflag:s8] =	ssyncset.s32 @!p0 $0xFFFFF086;
	s6 =	sadd.s32 @!p0 s3, s7;
	s7 =	simm.s32 @!p0 $0x108  }
0x21: {  	s3 =	sadd.s32 s3, s9;
	s6 =	sadd.s32 @!p0 $0x88, s6;
	s7 =	simm.s32 @p2 $0x1082  }
0x22: {  	[simem:s7], [sflag:s8] =	dma.local @!p0 [hbm:s6], $0xF7A  }
0x23: {  	s9 =	sor.u32 $0xD0000000, s2;
	s6 =	simm.s32 $0x108;
	_ =	swait.ge @!p0 [sflag:s8], $0x0  }
0x24: {  	s3 =	sadd.s32 $0x88, s3;
	s6 =	simm.s32 @!p1 $0x1082;
	[sflag:s4] =	ssyncset.s32 $0xFFFFF086  }
0x25: {  	[simem:s6], [sflag:s4] =	dma.local [hbm:s3], $0xF7A  }
0x26: {  	[smem:$0x3FA0] =	sst s1;
	(tag) =	ssettag s2;
	_ =	strace s9  }
0x27: {  	s1 =	sld [smem:$0x3FB0]  }
0x28: {  	s2 =	sld [smem:$0x3FB1]  }
0x29: {  	s4 =	sld [smem:$0x3FB3]  }
0x2a: {  	p0 =	seq.s32 s5, $0x0;
	s5 =	sld [smem:$0x3FB4]  }
0x2b: {  	s6 =	sld [smem:$0x3FB5]  }
0x2c: {  	s7 =	sld [smem:$0x3FB6]  }
0x2d: {  	s3 =	simm.s32 $0x108;
	s8 =	sld [smem:$0x3FB7]  }
0x2e: {  	s3 =	simm.s32 @!p0 $0x1082;
	s9 =	sld [smem:$0x3FB8]  }
0x2f: {  	lr =	sadd.s32 s0, s3;
	s0 =	sld [smem:$0x3FAF]  }
0x30: {  	s3 =	sld [smem:$0x3FB2]  }
0x31: {  	[smem:$0x3FBB] =	sst s10  }
0x32: {  	s10 =	sld [smem:$0x3FB9];
	_ =	sdelay $0x3  }
0x33: {  	p0 =	seq.s32 s10, $0x1;
	s10 =	sld [smem:$0x3FBB];
	_ =	sdelay $0x3  }
0x34: {  	[smem:$0x3FBB] =	sst s10  }
0x35: {  	s10 =	sld [smem:$0x3FBA];
	_ =	sdelay $0x3  }
0x36: {  	p1 =	seq.s32 s10, $0x1;
	s10 =	sld [smem:$0x3FBB];
	_ =	sdelay $0x3  }
0x37: {  	[smem:$0x3FBB] =	sst s10  }
0x38: {  	s10 =	sld [smem:$0x3FBC]  }
0x39: {  	_ = 	snop;
	(pc) =	sbr.ind lr, $3  }
0x3a: {  	_ = 	snop  }
0x3b: {  	_ = 	snop  }
0x3c: {  	p2 =	seq.s32 s10, $0x1;
	s10 =	sld [smem:$0x3FBB]  }
0x3d: {  	_ =	shalt  }
0x3e: {  	_ =	shalt  }
0x3f: {  	_ =	shalt  }
0x40: {  	_ =	shalt  }
0x41: {  	_ =	shalt  }
0x42: {  	_ =	shalt  }
0x43: {  	_ =	shalt  }
0x44: {  	_ =	shalt  }
0x45: {  	_ =	shalt  }
0x46: {  	_ =	shalt  }
0x47: {  	_ =	shalt  }
0x48: {  	_ =	shalt  }
0x49: {  	_ =	shalt  }
0x4a: {  	_ =	shalt  }
0x4b: {  	_ =	shalt  }
0x4c: {  	_ =	shalt  }
0x4d: {  	_ =	shalt  }
0x4e: {  	_ =	shalt  }
0x4f: {  	_ =	shalt  }
0x50: {  	_ =	shalt  }
0x51: {  	_ =	shalt  }
0x52: {  	_ =	shalt  }
0x53: {  	_ =	shalt  }
0x54: {  	_ =	shalt  }
0x55: {  	_ =	shalt  }
0x56: {  	_ =	shalt  }
0x57: {  	_ =	shalt  }
0x58: {  	_ =	shalt  }
0x59: {  	_ =	shalt  }
0x5a: {  	_ =	shalt  }
0x5b: {  	_ =	shalt  }
0x5c: {  	_ =	shalt  }
0x5d: {  	_ =	shalt  }
0x5e: {  	_ =	shalt  }
0x5f: {  	_ =	shalt  }
0x60: {  	_ =	shalt  }
0x61: {  	_ =	shalt  }
0x62: {  	_ =	shalt  }
0x63: {  	_ =	shalt  }
0x64: {  	_ =	shalt  }
0x65: {  	_ =	shalt  }
0x66: {  	_ =	shalt  }
0x67: {  	_ =	shalt  }
0x68: {  	_ =	shalt  }
0x69: {  	_ =	shalt  }
0x6a: {  	_ =	shalt  }
0x6b: {  	_ =	shalt  }
0x6c: {  	_ =	shalt  }
0x6d: {  	_ =	shalt  }
0x6e: {  	_ =	shalt  }
0x6f: {  	_ =	shalt  }
0x70: {  	_ =	shalt  }
0x71: {  	_ =	shalt  }
0x72: {  	_ =	shalt  }
0x73: {  	_ =	shalt  }
0x74: {  	_ =	shalt  }
0x75: {  	_ =	shalt  }
0x76: {  	_ =	shalt  }
0x77: {  	_ =	shalt  }
0x78: {  	_ =	shalt  }
0x79: {  	_ =	shalt  }
0x7a: {  	_ =	shalt  }
0x7b: {  	_ =	shalt  }
0x7c: {  	_ =	shalt  }
0x7d: {  	_ =	shalt  }
0x7e: {  	_ =	shalt  }
0x7f: {  	_ =	shalt  }
0x80: {  	_ =	shalt  }
0x81: {  	_ =	shalt  }
0x82: {  	_ =	shalt  }
0x83: {  	_ =	shalt  }
0x84: {  	_ =	shalt  }
0x85: {  	_ =	shalt  }
0x86: {  	_ =	shalt  }
0x87: {  	_ =	shalt  }
.Lfunc_end0:
.L_simem_size_0:
called_computation_lowered:
.L_overlay_start_0:
0x88: {  	s2 =	sld [smem:$0x3FD9]  }
0x89: {  	s3 =	sld [smem:$0x3FFE];
	_ =	sdelay $0x1  }
0x8a: {  	s1 =	srdreg.scid  }
0x8b: {  	s0 =	sand.u32 $0x1, s1  }
0x8c: {  	s18 =	sshll.u32 s0, $0xA;
	s2 =	sadd.s32 s3, s2  }
0x8d: {  	s2 =	sadd.s32 s2, s18  }
0x8e: {  	[smem:$0x3FC7] =	sst s2  }
0x8f: {  	_ = 	snop  }
0x90: {  	s2 =	sld [smem:$0x3FC9]  }
0x91: {  	s19 =	sld [smem:$0x3FD0];
	(tm) =	ssettm $0x1  }
0x92: {  	s4 =	sld [smem:$0x3FFB];
	_ =	sdelay $0x3  }
0x93: {  	_ =	strace s4  }
0x94: {  	s4 =	sld [smem:$0x3FFC];
	_ =	sdelay $0x3  }
0x95: {  	_ =	strace s4  }
0x96: {  	s4 =	sld [smem:$0x3FFD];
	_ =	sdelay $0x3  }
0x97: {  	_ =	strace s4  }
0x98: {  	_ =	strace $0x8FFFFFFF  }
0x99: {  	s20 =	sld [smem:$0x3FDB];
	_ =	sdelay $0x1  }
0x9a: {  	s5 =	simm.s32 $_scs_section_size  }
0x9b: {  	s6 =	simm.s32 $_size__tile_overlayer_lowered;
	s7 =	simm.s32 $_tile_overlayer_lowered  }
0x9c: {  	s23 =	simm.s32 $0x1BFF;
	s22 =	sshll.u32 s7, $0x1;
	s4 =	sadd.s32 s5, s20  }
0x9d: {  	s8 =	simm.s32 $0x0;
	s21 =	sshll.u32 s6, $0x1;
	s6 =	sadd.s32 s22, s4  }
0x9e: {  	[timem:s8], [sflag:s23] =	dma.local [hbm:s6], s21  }
0x9f: {  	_ =	swait.ge [sflag:s23], s21  }
0xa0: {  	s5 =	ssub.s32 $0x0, s21;
	[sflag:s23] =	ssyncset.done $0x0  }
0xa1: {  	[sflag:s23] =	ssyncadd.s32 s5;
	_ =	sdelay $0x1  }
0xa2: {  	s24 =	simm.s32 $0x1B8B  }
0xa3: {  	_ =	swait.ge [sflag:s24], $0x1  }
0xa4: {  	[sflag:s24] =	ssyncset.done $0x0  }
0xa5: {  	s25 =	simm.s32 $0x1B8E;
	[sflag:s24] =	ssyncadd.s32 $0xFFFFFFFF  }
0xa6: {  	s26 =	simm.s32 $execute0_lowered;
	[smem:$0x3FD2] =	sst s25  }
0xa7: {  	s5 =	sshll.u32 s26, $0x1;
	_ =	strace $0x80000046;
	[dreg:$0x1] =	wrdreg $0xFFFFFFFF  }
0xa8: {  	s28 =	simm.s32 $_size_execute0_lowered;
	s4 =	sadd.s32 s4, s5;
	[dreg:$0x0] =	wrdreg $0x0  }
0xa9: {  	s5 =	sshll.u32 s28, $0x1;
	[dreg:$0x2] =	wrdreg s4  }
0xaa: {  	[dreg:$0x3] =	wrdreg s5  }
0xab: {  	[dreg:$0x4] =	wrdreg $0xC0  }
0xac: {  	_ =	task [dreg:s8], $0x5FFFF  }
0xad: {  	[dreg:$0x1] =	wrdreg $0xFFFFFFFF  }
0xae: {  	[dreg:$0x0] =	wrdreg $0x60  }
0xaf: {  	[dreg:$0x2] =	wrdreg s2  }
0xb0: {  	[dreg:$0x3] =	wrdreg s19  }
0xb1: {  	[dreg:$0x4] =	wrdreg $0x9  }
0xb2: {  	_ =	task.clear_ibuf [dreg:s8], $0x5FFFF;
	_ =	strace $0x90000046  }
0xb3: {  	s29 =	simm.s32 $0x9;
	_ =	strace $0x80000048  }
0xb4: {  	_ =	swait.ge [sflag:s29], $0x1  }
0xb5: {  	[sflag:s29] =	ssyncadd.s32 $0xFFFFFFFF  }
0xb6: {  	_ =	strace $0x90000048  }
0xb7: {  	_ =	sfence  }
0xb8: {  	s30 =	sld [smem:$0x0];
	_ =	sdelay $0x2  }
0xb9: {  	s31 =	sshll.u32 s1, $0xD;
	s1 =	sshrl.u32 s1, $0x2  }
0xba: {  	s3 =	sand.u32 $0x4000, s31;
	s1 =	sadd.s32 s1, s30  }
0xbb: {  	s0 =	sor.u32 s3, s0;
	s1 =	sshll.u32 s1, $0x11  }
0xbc: {  	s0 =	sor.u32 s1, s0  }
0xbd: {  	s0 =	sadd.s32 $0x8F2B, s0  }
0xbe: {  	[sflag:s0] =	ssyncadd.remote.s32 $0x1  }
0xbf: {  	_ =	sfence.sel $0xFFFF  }
0xc0: {  	[dreg:$0x0] =	wrdreg $0xFFFFFFFF;
	(pc) =	sbr.abs _section_cstart, $3  }
0xc1: {  	[dreg:$0x1] =	wrdreg $0xFFFFFFFF  }
0xc2: {  	_ =	task.clear_ibuf [dreg:s8], $0x2FFFF;
	_ =	strace $0x9FFFFFFF  }
0xc3: {  	(tm) =	ssettm $0x7FFFFFFF  }
tec
execute0_lowered:
.L_overlay_start_1:
0x0: {  	(tag) =	ssettag $0x1  }
0x1: {  	s1 =	srdreg.scid  }
0x2: {  	s0 =	stileid.u32;
	s2 =	rddreg [dreg:$0x0]  }
0x3: {  	s4 =	rddreg [dreg:$0x1];
	s6 =	simm.s32 $0x0;
	s13 =	simm.s32 $0x400  }
0x4: {  	s14 =	simm.s32 $0x1700;
	s15 =	simm.s32 $0x2E00;
	s16 =	simm.s32 $0x4500  }
0x5: {  	s17 =	simm.s32 $0x0;
	s7 =	sand.u32 $0x1, s1;
	s25 =	sshll.u32 s0, $0x2  }
0x6: {  	s26 =	sshrl.u32 s0, $0x1;
	s1 =	rddreg [dreg:$0x2];
	s3 =	sshll.u32 s7, $0x1  }
0x7: {  	[smem:$0x7FF] =	sst s6;
	s7 =	ssub.s32 $0x2, s7;
	s3 =	sor.u32 s3, s25  }
0x8: {  	s5 =	smul.u32 $0xC3800, s26;
	s9 =	sshrl.u32 s7, $0x1;
	s8 =	sshll.u32 s3, $0x7  }
0x9: {  	_ =	strace $0x80000047;
	s11 =	ssub.s32 s7, s9;
	s8 =	sand.u32 $0x300, s8  }
.Ltmp0:
0xa: {  	s11 =	smax.u32 s11, $0x1;
	s8 =	sor.u32 s5, s8;
	(pc) =	sbr.rel .LBB2_1-.Ltmp0, $4  }
0xb: {  	s10 =	sshrl.u32 s8, $0x3;
	s28 =	sadd.s32 $0xB800, s8;
	s29 =	sadd.s32 $0x17000, s8  }
0xc: {  	s12 =	sadd.s32 $0x22800, s8;
	s7 =	sadd.s32 s2, s10;
	s9 =	sshrl.u32 s28, $0x3  }
0xd: {  	s30 =	sshrl.u32 s29, $0x3;
	s31 =	sshrl.u32 s12, $0x3;
	s12 =	simm.s32 $0x80  }
0xe: {  	s8 =	sadd.s32 s2, s9;
	s9 =	sadd.s32 s2, s30;
	s10 =	sadd.s32 s2, s31  }
.LBB2_6:
0xf: {  	s17 =	sadd.s32 $0x1, s17  }
0x10: {  	p0 =	sne.s32 s17, s11  }
.Ltmp1:
0x11: {  	_ = 	snop;
	(pc) =	sbr.rel @!p0 .LBB2_7-.Ltmp1, $1  }
0x12: {  	_ =	sdelay $0x3  }
.LBB2_1:
0x13: {  	[tilespmem:s6], [sflag:$0x1] =	stream.strided.gather [hbm4b:s7+s12], $0x1700, s13, s12, $0x38;
	[tilespmem:$0x5C00] =	vst v63  }
0x14: {  	_ = 	snop  }
0x15: {  	[tilespmem:s14], [sflag:$0x2] =	stream.strided.gather [hbm4b:s8+s12], $0x1700, s13, s12, $0x38;
	[tilespmem:$0x5C00] =	vst v63  }
.Ltmp2:
0x16: {  	_ = 	snop;
	(pc) =	sbr.rel .LBB2_2-.Ltmp2, $4  }
0x17: {  	_ = 	snop  }
0x18: {  	[tilespmem:s15], [sflag:$0x3] =	stream.strided.gather [hbm4b:s9+s12], $0x1700, s13, s12, $0x38;
	[tilespmem:$0x5C00] =	vst v63  }
0x19: {  	s18 =	simm.s32 $0x0  }
0x1a: {  	[tilespmem:s16], [sflag:$0x4] =	stream.strided.gather [hbm4b:s10+s12], $0x1700, s13, s12, $0x38;
	[tilespmem:$0x5C00] =	vst v63  }
.LBB2_4:
0x1b: {  	p0 =	seq.s32 s20, $0x2  }
0x1c: {  	s20 =	simm.s32 @p0 $0x3;
	p2 =	sgt.u32 @p0 s18, $0x1D  }
0x1d: {  	s21 =	simm.s32 @p0 $0x2E00;
	_ =	swait.ge @p0 [sflag:s20], $0x1700;
	p1 =	por p2, !p0  }
0x1e: {  	[sflag:s20] =	ssyncset.done @p0 $0x0;
	p3 =	slt.u32 @!p1 s18, $0xD;
	p4 =	sgt.u32 @!p1 s18, $0xC  }
0x1f: {  	[sflag:s20] =	ssyncadd.s32 @p0 $0xFFFFE900;
	s20 =	simm.s32 @p0 $0x0;
	p3 =	por @p0 !p3, p2  }
0x20: {  	[hbm4b:s19+s20] =	stream.linear.scatter @p0 [tilespmem:s21], [sflag:$0x5], $0x1700, $0x38;
	[tilespmem:$0x5C00] =	vst v63  }
0x21: {  	p2 =	por @p0 !p4, p2;
	s20 =	simm.s32 @!p1 $0x4;
	p3 =	por !p3, !p0  }
0x22: {  	s21 =	simm.s32 @!p1 $0x1;
	p2 =	por !p2, !p0;
	s20 =	simm.s32 @!p3 $0xFFFFFFF3  }
0x23: {  	s21 =	simm.s32 @!p2 $0x0;
	s20 =	sadd.s32 @!p1 s18, s20  }
0x24: {  	s21 =	sor.u32 @!p1 s21, s3;
	s20 =	smul.u32 @!p1 $0xB800, s20  }
0x25: {  	s22 =	simm.s32 @p0 $0x5;
	s21 =	sshll.u32 @!p1 s21, $0x7  }
0x26: {  	_ =	swait.ge @p0 [sflag:s22], $0x1700;
	s21 =	sand.u32 @!p1 $0x380, s21;
	s20 =	sadd.s32 @!p1 s5, s20  }
0x27: {  	[sflag:s22] =	ssyncset.done @p0 $0x0;
	s20 =	sor.u32 @!p1 s21, s20  }
0x28: {  	s23 =	simm.s32 @!p1 $0x2E00;
	[sflag:s22] =	ssyncadd.s32 @p0 $0xFFFFE900;
	s20 =	sshrl.u32 @!p1 s20, $0x3  }
0x29: {  	s22 =	simm.s32 @!p1 $0x400;
	s21 =	simm.s32 @!p1 $0x80;
	s20 =	sadd.s32 @!p1 s2, s20  }
0x2a: {  	[tilespmem:s23], [sflag:$0x3] =	stream.strided.gather @!p1 [hbm4b:s20+s21], $0x1700, s22, s21, $0x38;
	[tilespmem:$0x5C00] =	vst v63  }
0x2b: {  	p2 =	sgt.u32 @!p0 s18, $0x1D;
	s20 =	simm.s32 @!p0 $0x4  }
0x2c: {  	s21 =	simm.s32 @!p0 $0x4500;
	p1 =	por p2, p0;
	_ =	swait.ge @!p0 [sflag:s20], $0x1700  }
0x2d: {  	p3 =	slt.u32 @!p1 s18, $0xD;
	p4 =	sgt.u32 @!p1 s18, $0xC;
	[sflag:s20] =	ssyncset.done @!p0 $0x0  }
0x2e: {  	p3 =	por @!p0 !p3, p2;
	[sflag:s20] =	ssyncadd.s32 @!p0 $0xFFFFE900;
	s20 =	simm.s32 @!p0 $0x0  }
0x2f: {  	[hbm4b:s19+s20] =	stream.linear.scatter @!p0 [tilespmem:s21], [sflag:$0x5], $0x1700, $0x38;
	[tilespmem:$0x5C00] =	vst v63  }
0x30: {  	p2 =	por @!p0 !p4, p2;
	p3 =	por !p3, p0;
	s19 =	simm.s32 @!p1 $0x4  }
0x31: {  	p2 =	por !p2, p0;
	s20 =	simm.s32 @!p1 $0x1;
	s19 =	simm.s32 @!p3 $0xFFFFFFF3  }
0x32: {  	s20 =	simm.s32 @!p2 $0x0;
	s19 =	sadd.s32 @!p1 s18, s19  }
0x33: {  	s20 =	sor.u32 @!p1 s20, s3;
	s19 =	smul.u32 @!p1 $0xB800, s19  }
0x34: {  	s21 =	simm.s32 @!p0 $0x5;
	s20 =	sshll.u32 @!p1 s20, $0x7  }
0x35: {  	_ =	swait.ge @!p0 [sflag:s21], $0x1700;
	s20 =	sand.u32 @!p1 $0x380, s20;
	s19 =	sadd.s32 @!p1 s5, s19  }
0x36: {  	[sflag:s21] =	ssyncset.done @!p0 $0x0;
	s19 =	sor.u32 @!p1 s20, s19  }
0x37: {  	s22 =	simm.s32 @!p1 $0x4500;
	[sflag:s21] =	ssyncadd.s32 @!p0 $0xFFFFE900;
	s19 =	sshrl.u32 @!p1 s19, $0x3  }
0x38: {  	s21 =	simm.s32 @!p1 $0x400;
	s20 =	simm.s32 @!p1 $0x80;
	s19 =	sadd.s32 @!p1 s2, s19  }
0x39: {  	[tilespmem:s22], [sflag:$0x4] =	stream.strided.gather @!p1 [hbm4b:s19+s20], $0x1700, s21, s20, $0x38;
	[tilespmem:$0x5C00] =	vst v63  }
.LBB2_5:
0x3a: {  	s18 =	sadd.s32 $0x1, s18  }
0x3b: {  	p0 =	sne.s32 s18, $0x22  }
.Ltmp3:
0x3c: {  	_ = 	snop;
	(pc) =	sbr.rel @!p0 .LBB2_6-.Ltmp3, $1  }
0x3d: {  	_ =	sdelay $0x3  }
.LBB2_2:
0x3e: {  	p0 =	sgt.u32 s18, $0x10;
	s19 =	simm.s32 $0x1;
	s20 =	sadd.s32 $0xFFFFFFEF, s18  }
0x3f: {  	s19 =	simm.s32 @!p0 $0x0;
	s20 =	smin.u32 s18, s20  }
0x40: {  	s19 =	sor.u32 s19, s3;
	s21 =	smul.u32 $0x1700, s20;
	s20 =	sand.u32 $0x3, s18  }
0x41: {  	s19 =	smul.u32 $0x18700, s19;
	p0 =	sgt.s32 s20, $0x1  }
.Ltmp4:
0x42: {  	_ = 	snop;
	(pc) =	sbr.rel @p0 .LBB2_4-.Ltmp4, $4  }
0x43: {  	_ = 	snop  }
0x44: {  	s19 =	sadd.s32 s21, s19  }
0x45: {  	s19 =	sshrl.u32 s19, $0x3  }
0x46: {  	s19 =	sadd.s32 s4, s19  }
0x47: {  	p0 =	seq.s32 s20, $0x0  }
0x48: {  	s20 =	simm.s32 @p0 $0x1;
	p2 =	sgt.u32 @p0 s18, $0x1D  }
0x49: {  	_ =	swait.ge @p0 [sflag:s20], $0x1700;
	p1 =	por p2, !p0  }
0x4a: {  	[sflag:s20] =	ssyncset.done @p0 $0x0;
	p3 =	slt.u32 @!p1 s18, $0xD;
	p4 =	sgt.u32 @!p1 s18, $0xC  }
0x4b: {  	[sflag:s20] =	ssyncadd.s32 @p0 $0xFFFFE900;
	s20 =	simm.s32 @p0 $0x0;
	p3 =	por @p0 !p3, p2  }
0x4c: {  	[hbm4b:s19+s20] =	stream.linear.scatter @p0 [tilespmem:s20], [sflag:$0x5], $0x1700, $0x38;
	[tilespmem:$0x5C00] =	vst v63  }
0x4d: {  	p2 =	por @p0 !p4, p2;
	s20 =	simm.s32 @!p1 $0x4;
	p3 =	por !p3, !p0  }
0x4e: {  	s21 =	simm.s32 @!p1 $0x1;
	p2 =	por !p2, !p0;
	s20 =	simm.s32 @!p3 $0xFFFFFFF3  }
0x4f: {  	s21 =	simm.s32 @!p2 $0x0;
	s20 =	sadd.s32 @!p1 s18, s20  }
0x50: {  	s21 =	sor.u32 @!p1 s21, s3;
	s20 =	smul.u32 @!p1 $0xB800, s20  }
0x51: {  	s22 =	simm.s32 @p0 $0x5;
	s21 =	sshll.u32 @!p1 s21, $0x7  }
0x52: {  	_ =	swait.ge @p0 [sflag:s22], $0x1700;
	s21 =	sand.u32 @!p1 $0x380, s21;
	s20 =	sadd.s32 @!p1 s5, s20  }
0x53: {  	[sflag:s22] =	ssyncset.done @p0 $0x0;
	s20 =	sor.u32 @!p1 s21, s20  }
0x54: {  	s23 =	simm.s32 @!p1 $0x0;
	[sflag:s22] =	ssyncadd.s32 @p0 $0xFFFFE900;
	s20 =	sshrl.u32 @!p1 s20, $0x3  }
0x55: {  	s22 =	simm.s32 @!p1 $0x400;
	s21 =	simm.s32 @!p1 $0x80;
	s20 =	sadd.s32 @!p1 s2, s20  }
0x56: {  	[tilespmem:s23], [sflag:$0x1] =	stream.strided.gather @!p1 [hbm4b:s20+s21], $0x1700, s22, s21, $0x38;
	[tilespmem:$0x5C00] =	vst v63  }
0x57: {  	p2 =	sgt.u32 @!p0 s18, $0x1D;
	s20 =	simm.s32 @!p0 $0x2  }
0x58: {  	s21 =	simm.s32 @!p0 $0x1700;
	p1 =	por p2, p0;
	_ =	swait.ge @!p0 [sflag:s20], $0x1700  }
0x59: {  	p3 =	slt.u32 @!p1 s18, $0xD;
	p4 =	sgt.u32 @!p1 s18, $0xC;
	[sflag:s20] =	ssyncset.done @!p0 $0x0  }
0x5a: {  	p3 =	por @!p0 !p3, p2;
	[sflag:s20] =	ssyncadd.s32 @!p0 $0xFFFFE900;
	s20 =	simm.s32 @!p0 $0x0  }
0x5b: {  	[hbm4b:s19+s20] =	stream.linear.scatter @!p0 [tilespmem:s21], [sflag:$0x5], $0x1700, $0x38;
	[tilespmem:$0x5C00] =	vst v63  }
0x5c: {  	p2 =	por @!p0 !p4, p2;
	p3 =	por !p3, p0;
	s19 =	simm.s32 @!p1 $0x4  }
0x5d: {  	p2 =	por !p2, p0;
	s20 =	simm.s32 @!p1 $0x1;
	s19 =	simm.s32 @!p3 $0xFFFFFFF3  }
0x5e: {  	s20 =	simm.s32 @!p2 $0x0;
	s19 =	sadd.s32 @!p1 s18, s19  }
0x5f: {  	s21 =	simm.s32 @!p0 $0x5;
	s20 =	sor.u32 @!p1 s20, s3;
	s19 =	smul.u32 @!p1 $0xB800, s19  }
0x60: {  	_ =	swait.ge @!p0 [sflag:s21], $0x1700;
	s20 =	sshll.u32 @!p1 s20, $0x7  }
.Ltmp5:
0x61: {  	s20 =	sand.u32 @!p1 $0x380, s20;
	s19 =	sadd.s32 @!p1 s5, s19;
	(pc) =	sbr.rel .LBB2_5-.Ltmp5, $4  }
0x62: {  	[sflag:s21] =	ssyncset.done @!p0 $0x0;
	s19 =	sor.u32 @!p1 s20, s19  }
0x63: {  	s22 =	simm.s32 @!p1 $0x1700;
	[sflag:s21] =	ssyncadd.s32 @!p0 $0xFFFFE900;
	s19 =	sshrl.u32 @!p1 s19, $0x3  }
0x64: {  	s21 =	simm.s32 @!p1 $0x400;
	s20 =	simm.s32 @!p1 $0x80;
	s19 =	sadd.s32 @!p1 s2, s19  }
0x65: {  	[tilespmem:s22], [sflag:$0x2] =	stream.strided.gather @!p1 [hbm4b:s19+s20], $0x1700, s21, s20, $0x38;
	[tilespmem:$0x5C00] =	vst v63  }
.LBB2_7:
0x66: {  	_ =	sfence.sel $0x180000  }
0x67: {  	[bflag:$0x0] =	sbarrier.arrive $0xFFFF  }
0x68: {  	p0 =	sne.s32 s0, $0x0;
	_ =	strace $0x90000047  }
0x69: {  	s0 =	sadd.s32 @!p0 $0x100000, s1;
	[bflag:$0x2] =	sbarrier.arrive $0xFFFF  }
0x6a: {  	[sflag:s0] =	ssyncadd.tile.s32 @!p0 $0x1;
	_ =	shalt  }
.Lfunc_end2:
_tile_overlayer_lowered:
.L_overlay_start_2:
0x6b: {  	(tag) =	ssettag $0x2  }
0x6c: {  	s0 =	rddreg [dreg:$0x0];
	s2 =	stileid.u32  }
0x6d: {  	s1 =	rddreg [dreg:$0x1];
	p0 =	sne.s32 s2, $0x0  }
0x6e: {  	s3 =	rddreg [dreg:$0x2];
	[bflag:$0x3] =	sbarrier.arrive $0xFFFF;
	s2 =	simm.s32 @!p0 $0x1C05  }
0x6f: {  	[timem:s3], [sflag:s2] =	dma.local @!p0 [hbm:s0], s1  }
0x70: {  	s0 =	simm.s32 @!p0 $0x5  }
0x71: {  	_ =	swait.ge @!p0 [sflag:s0], s1  }
0x72: {  	s1 =	ssub.s32 @!p0 $0x0, s1;
	[sflag:s0] =	ssyncset.done @!p0 $0x0  }
0x73: {  	[sflag:s0] =	ssyncadd.s32 @!p0 s1  }
0x74: {  	[bflag:$0x3] =	sbarrier.arrive $0xFFFF  }
0x75: {  	_ =	shalt  }

</sc_bundles>
